<compile_context>
chip_gen: v7x
topology: tpu7x:2x2x1
jax: 0.10.2.dev20260603
libtpu: 0.0.44.dev20260713+nightly
codegen_flags: <defaults>
</compile_context>

<pallas_src>
import functools

import jax
import jax.numpy as jnp
from jax import lax
from jax.experimental import pallas as pl
from jax.experimental.pallas import tpu as pltpu
from jax.experimental.pallas import tpu_sc as plsc

N = 10000
D = 128
H = 256
E = 320000

NC = 2
NS = 16
NW = NC * NS

NP = 10112
RPT = NP // NS
BIN = N
CHUNK = 112
NCHUNK = 96
TOTCH = NW * NCHUNK
EP = TOTCH * CHUNK
NBUF = 3
QC = 24
NCH0 = 96
NCH1 = 96

DEGW = 128
B_TC = NP // 4
GRID_TC = NP // B_TC

@functools.cache
def _sc_kernels():
    mesh = plsc.VectorSubcoreMesh(
        core_axis_name="c", subcore_axis_name="s",
        num_cores=NC, num_subcores=NS)

    @functools.partial(
        pl.kernel,
        out_type=jax.ShapeDtypeStruct((NC, NP, DEGW), jnp.float32),
        mesh=mesh,
        scratch_types=[
            pltpu.VMEM((NCHUNK, CHUNK), jnp.int32),
            pltpu.VMEM((CHUNK, DEGW), jnp.float32),
            pltpu.VMEM_SHARED((NP, DEGW), jnp.float32),
        ],
    )
    def _deg_kernel(dstI_hbm, ones_hbm, zeros_hbm, out_hbm, di_all, ones_v,
                    deg_sh):
        c = lax.axis_index("c")
        s = lax.axis_index("s")
        wid = s * NC + c
        r0 = pl.multiple_of(s * RPT, 8)
        cb = pl.multiple_of(wid * NCHUNK, 8)
        pltpu.sync_copy(zeros_hbm.at[pl.ds(r0, RPT)], deg_sh.at[pl.ds(r0, RPT)])
        pltpu.sync_copy(dstI_hbm.at[pl.ds(cb, NCHUNK)], di_all)
        pltpu.sync_copy(ones_hbm, ones_v)
        plsc.subcore_barrier()

        def body(j, carry):
            pltpu.sync_copy(ones_v, deg_sh.at[di_all.at[j]], add=True)
            return carry

        lax.fori_loop(0, NCHUNK, body, 0)
        plsc.subcore_barrier()
        pltpu.sync_copy(deg_sh.at[pl.ds(r0, RPT)], out_hbm.at[c, pl.ds(r0, RPT)])

    @functools.partial(
        pl.kernel,
        out_type=jax.ShapeDtypeStruct((NC, NP, D), jnp.float32),
        mesh=mesh,
        scratch_types=(
            [pltpu.VMEM((QC, CHUNK), jnp.int32)] * 2
            + [pltpu.VMEM((CHUNK, D), jnp.float32)] * NBUF
            + [pltpu.SemaphoreType.DMA] * NBUF
            + [pltpu.VMEM_SHARED((NP, D), jnp.float32)]
        ),
    )
    def _scat_kernel(hp_hbm, srcI_hbm, dstI_hbm, zeros_hbm, out_hbm,
                     si_all, di_all, rb0, rb1, rb2, sm0, sm1, sm2, acc_sh):
        rows = [rb0, rb1, rb2]
        sems = [sm0, sm1, sm2]
        c = lax.axis_index("c")
        s = lax.axis_index("s")
        r0 = pl.multiple_of(s * RPT, 8)
        tile_base = lax.select(c == 0, s * NCH0, NS * NCH0 + s * NCH1)
        nstage = lax.select(c == 0, NCH0 // QC, NCH1 // QC)
        pltpu.sync_copy(zeros_hbm.at[pl.ds(r0, RPT)], acc_sh.at[pl.ds(r0, RPT)])
        plsc.subcore_barrier()

        def quarter(q, carry):
            q0 = pl.multiple_of(tile_base + q * QC, 8)
            pltpu.sync_copy(srcI_hbm.at[pl.ds(q0, QC)], si_all)
            pltpu.sync_copy(dstI_hbm.at[pl.ds(q0, QC)], di_all)
            for b in range(NBUF):
                pltpu.async_copy(hp_hbm.at[si_all.at[b]], rows[b], sems[b])

            def body(g, carry2):
                for b in range(NBUF):
                    j = g * NBUF + b
                    pltpu.make_async_copy(
                        hp_hbm.at[si_all.at[j]], rows[b], sems[b]).wait()
                    pltpu.sync_copy(rows[b], acc_sh.at[di_all.at[j]], add=True)
                    jn = j + NBUF

                    @pl.when(jn < QC)
                    def _():
                        pltpu.async_copy(
                            hp_hbm.at[si_all.at[jn]], rows[b], sems[b])
                return carry2

            lax.fori_loop(0, QC // NBUF, body, 0)
            return carry

        lax.fori_loop(0, nstage, quarter, 0)
        plsc.subcore_barrier()
        pltpu.sync_copy(acc_sh.at[pl.ds(r0, RPT)], out_hbm.at[c, pl.ds(r0, RPT)])

    return _deg_kernel, _scat_kernel


def _mm_body(x_ref, w_ref, h_ref):
    h_ref[...] = jnp.dot(x_ref[...], w_ref[...],
                         preferred_element_type=jnp.float32)


def _mm_call(x_p, w):
    return pl.pallas_call(
        _mm_body,
        grid=(GRID_TC,),
        in_specs=[
            pl.BlockSpec((B_TC, D), lambda i: (i, 0)),
            pl.BlockSpec((D, D), lambda i: (0, 0)),
        ],
        out_specs=pl.BlockSpec((B_TC, D), lambda i: (i, 0)),
        out_shape=jax.ShapeDtypeStruct((NP, D), jnp.float32),
    )(x_p, w)


def _h_body(h_ref, deg_ref, hp_ref, dinv_ref):
    i = pl.program_id(0)
    deg = deg_ref[0, :, 0] + deg_ref[1, :, 0] + 1.0
    dinv = lax.rsqrt(deg)
    rows = i * B_TC + lax.broadcasted_iota(jnp.int32, (B_TC, 1), 0)
    hp_ref[...] = jnp.where(rows < N, h_ref[...] * dinv[:, None], 0.0)
    dinv_ref[...] = jnp.broadcast_to(dinv[:, None], (B_TC, 8))


def _h_call(h, deg8):
    return pl.pallas_call(
        _h_body,
        grid=(GRID_TC,),
        in_specs=[
            pl.BlockSpec((B_TC, D), lambda i: (i, 0)),
            pl.BlockSpec((NC, B_TC, DEGW), lambda i: (0, i, 0)),
        ],
        out_specs=[
            pl.BlockSpec((B_TC, D), lambda i: (i, 0)),
            pl.BlockSpec((B_TC, 8), lambda i: (i, 0)),
        ],
        out_shape=[
            jax.ShapeDtypeStruct((NP, D), jnp.float32),
            jax.ShapeDtypeStruct((NP, 8), jnp.float32),
        ],
    )(h, deg8)


def _lrelu(v):
    return jnp.where(v >= 0, v, 0.01 * v)


def _softplus(v):
    return jnp.maximum(v, 0.0) + jnp.log1p(jnp.exp(-jnp.abs(v)))


def _mlp_body(acc_ref, hp_ref, dinv_ref, x_ref, bconv_ref, w1_ref, b1_ref,
              w2_ref, b2_ref, w3_ref, b3_ref, shift_ref, conc_ref, cc_ref, s_ref):
    i = pl.program_id(0)
    dinv = dinv_ref[:, 0:1]
    g = (acc_ref[0] + acc_ref[1] + hp_ref[...]) * dinv + bconv_ref[...]
    g = jnp.maximum(g, 0.0) + x_ref[...]
    h1 = _lrelu(jnp.dot(g, w1_ref[...], preferred_element_type=jnp.float32)
                + b1_ref[...])
    h2 = _lrelu(jnp.dot(h1, w2_ref[...], preferred_element_type=jnp.float32)
                + b2_ref[...])
    h3 = _softplus(jnp.dot(h2, w3_ref[...], preferred_element_type=jnp.float32)
                   + b3_ref[...])
    conc = h3 + shift_ref[...]
    conc_ref[...] = conc
    cc_ref[...] = conc[:, :8]
    rows = i * B_TC + lax.broadcasted_iota(jnp.int32, (B_TC, 1), 0)
    c2 = jnp.where(rows[:, 0] < N, conc[:, 2], 0.0)

    @pl.when(i == 0)
    def _():
        s_ref[0, 0] = 0.0

    s_ref[0, 0] += jnp.sum(c2)


def _mlp_call(acc, hp, dinv8, x_p, bconv, w1, b1, w2, b2, w3p, b3p, shift):
    return pl.pallas_call(
        _mlp_body,
        grid=(GRID_TC,),
        in_specs=[
            pl.BlockSpec((NC, B_TC, D), lambda i: (0, i, 0)),
            pl.BlockSpec((B_TC, D), lambda i: (i, 0)),
            pl.BlockSpec((B_TC, 8), lambda i: (i, 0)),
            pl.BlockSpec((B_TC, D), lambda i: (i, 0)),
            pl.BlockSpec((1, D), lambda i: (0, 0)),
            pl.BlockSpec((D, H), lambda i: (0, 0)),
            pl.BlockSpec((1, H), lambda i: (0, 0)),
            pl.BlockSpec((H, H), lambda i: (0, 0)),
            pl.BlockSpec((1, H), lambda i: (0, 0)),
            pl.BlockSpec((H, D), lambda i: (0, 0)),
            pl.BlockSpec((1, D), lambda i: (0, 0)),
            pl.BlockSpec((1, D), lambda i: (0, 0)),
        ],
        out_specs=[
            pl.BlockSpec((B_TC, D), lambda i: (i, 0)),
            pl.BlockSpec((B_TC, 8), lambda i: (i, 0)),
            pl.BlockSpec((1, 1), lambda i: (0, 0), memory_space=pltpu.SMEM),
        ],
        out_shape=[
            jax.ShapeDtypeStruct((NP, D), jnp.float32),
            jax.ShapeDtypeStruct((NP, 8), jnp.float32),
            jax.ShapeDtypeStruct((1, 1), jnp.float32),
        ],
    )(acc, hp, dinv8, x_p, bconv, w1, b1, w2, b2, w3p, b3p, shift)


def _act_body(conc_ref, s_ref, out_ref):
    c0 = conc_ref[:, 0]
    c1 = conc_ref[:, 1]
    c2 = conc_ref[:, 2]
    ao = c0 / (c0 + c1)
    ao = jnp.where(ao < 0.0, 0.0, ao)
    ar = c2 / s_ref[0, 0]
    lane = lax.broadcasted_iota(jnp.int32, (B_TC, 8), 1)
    out_ref[...] = jnp.where(lane == 0, ao[:, None],
                             jnp.where(lane == 1, ar[:, None], 0.0))


def _act_call(cc, s):
    return pl.pallas_call(
        _act_body,
        grid=(GRID_TC,),
        in_specs=[
            pl.BlockSpec((B_TC, 8), lambda i: (i, 0)),
            pl.BlockSpec((1, 1), lambda i: (0, 0), memory_space=pltpu.SMEM),
        ],
        out_specs=pl.BlockSpec((B_TC, 8), lambda i: (i, 0)),
        out_shape=jax.ShapeDtypeStruct((NP, 8), jnp.float32),
    )(cc, s)


def kernel(x, edge_index, W_conv, b_conv, W1, b1, W2, b2, W3, b3,
           deterministic=True):
    src = edge_index[0]
    dst = edge_index[1]
    padv = BIN + (jnp.arange(EP - E, dtype=jnp.int32) % (NP - N))
    src_p = jnp.concatenate([src, padv]).reshape(TOTCH, CHUNK)
    dst_p = jnp.concatenate([dst, padv]).reshape(TOTCH, CHUNK)
    x_p = jnp.pad(x, ((0, NP - N), (0, 0)))
    onesD = jnp.ones((CHUNK, DEGW), jnp.float32)
    zerosD = jnp.zeros((NP, D), jnp.float32)
    w3p = jnp.pad(W3, ((0, 0), (0, D - 3)))
    b3p = jnp.pad(b3, (0, D - 3)).reshape(1, D)
    shift = jnp.zeros((1, D), jnp.float32).at[0, 0].set(1.0).at[0, 1].set(1.0) \
        .at[0, 2].set(0.1)

    deg_k, scat_k = _sc_kernels()
    h = _mm_call(x_p, W_conv)
    deg8 = deg_k(dst_p, onesD, zerosD)
    hp, dinv8 = _h_call(h, deg8)
    acc = scat_k(hp, src_p, dst_p, zerosD)
    conc_t, cc, s = _mlp_call(acc, hp, dinv8, x_p, b_conv.reshape(1, D),
                              W1, b1.reshape(1, H), W2, b2.reshape(1, H),
                              w3p, b3p, shift)
    act = _act_call(cc, s)

    conc = conc_t[:N, :3].reshape(1, N, 3)
    action = act[:N, :2]
    return (action, conc)

# --- scband reference (transcript-rebuilt; emitter-appended) ---
"""Pipeline reference for scband-gnnactor-2826088481168 (READ-ONLY COPY).

The authoritative reference and input builder live on the scoring server;
editing this copy changes nothing except your own understanding.
"""

import jax, jax.numpy as jnp
import numpy as np

N = 10000
D = 128
H = 256
E = 320000


def setup_inputs(seed: int = 0) -> dict:
    key = jax.random.key(seed)
    ks = jax.random.split(key, 12)
    s = 0.05
    x = jax.random.normal(ks[0], (N, D), dtype=jnp.float32)
    edge_index = jax.random.randint(ks[1], (2, E), 0, N, dtype=jnp.int32)
    W_conv = jax.random.normal(ks[2], (D, D), dtype=jnp.float32) * s
    b_conv = jnp.zeros((D,), dtype=jnp.float32)
    W1 = jax.random.normal(ks[3], (D, H), dtype=jnp.float32) * s
    b1 = jnp.zeros((H,), dtype=jnp.float32)
    W2 = jax.random.normal(ks[4], (H, H), dtype=jnp.float32) * s
    b2 = jnp.zeros((H,), dtype=jnp.float32)
    W3 = jax.random.normal(ks[5], (H, 3), dtype=jnp.float32) * s
    b3 = jnp.zeros((3,), dtype=jnp.float32)
    return {"x": x, "edge_index": edge_index, "W_conv": W_conv, "b_conv": b_conv,
            "W1": W1, "b1": b1, "W2": W2, "b2": b2, "W3": W3, "b3": b3,
            "deterministic": True}


def _gcn_conv(x, edge_index, W, b):
    # PyG-style GCNConv: add self-loops, symmetric deg^{-1/2} normalization, linear, scatter-add
    src = edge_index[0]
    dst = edge_index[1]
    loop = jnp.arange(N, dtype=src.dtype)
    src = jnp.concatenate([src, loop])
    dst = jnp.concatenate([dst, loop])
    deg = jnp.zeros((N,), dtype=jnp.float32).at[dst].add(1.0)
    dinv = jax.lax.rsqrt(deg)  # deg >= 1 because of self-loops
    norm = dinv[src] * dinv[dst]
    h = x @ W
    msg = h[src] * norm[:, None]
    out = jax.ops.segment_sum(msg, dst, num_segments=N)
    return out + b


def reference(x, edge_index, W_conv, b_conv, W1, b1, W2, b2, W3, b3, deterministic=True):
    out = jax.nn.relu(_gcn_conv(x, edge_index, W_conv, b_conv))
    h = out + x
    h = h.reshape(1, N, D)
    h = jax.nn.leaky_relu(h @ W1 + b1, negative_slope=0.01)
    h = jax.nn.leaky_relu(h @ W2 + b2, negative_slope=0.01)
    h = jax.nn.softplus(h @ W3 + b3)
    # mode == 2, od_price_actions == False
    conc = h.at[:, :, :2].add(1.0).at[:, :, 2].add(0.1)
    c0 = conc[:, :, 0]
    c1 = conc[:, :, 1]
    c2 = conc[:, :, 2]
    # deterministic branch
    action_o = c0 / (c0 + c1)
    action_o = jnp.where(action_o < 0.0, 0.0, action_o)
    action_reb = c2 / jnp.sum(c2)
    action = jnp.stack((action_o[0], action_reb[0]), axis=-1)
    # torch module returns (action, None, concentration); log_prob None in deterministic mode
    return (action, conc)

if __name__ == "__main__":
    import jax
    _d = setup_inputs()
    print(jax.jit(kernel)(*tuple(_d.values())))

</pallas_src>

<mosaic_0001>
#map = affine_map<(d0, d1) -> (0, 0)>
#map1 = affine_map<(d0, d1) -> (0, 0, 0)>
module attributes {stable_mosaic.version = 14 : i64} {
  func.func @_deg_kernel(%arg0: i32, %arg1: i32, %arg2: memref<3072x112xi32, #tpu.memory_space<hbm>>, %arg3: memref<112x128xf32, #tpu.memory_space<hbm>>, %arg4: memref<10112x128xf32, #tpu.memory_space<hbm>>, %arg5: memref<2x10112x128xf32, #tpu.memory_space<hbm>>, %arg6: memref<96x112xi32, #tpu.memory_space<vmem>>, %arg7: memref<112x128xf32, #tpu.memory_space<vmem>>, %arg8: memref<10112x128xf32, #tpu.memory_space<vmem_shared>>) attributes {dimension_semantics = [#tpu.dimension_semantics<core_parallel>, #tpu.dimension_semantics<subcore_parallel>], iteration_bounds = array<i64: 2, 16>, scalar_prefetch = 0 : i64, scratch_operands = 3 : i64, tpu.core_type = #tpu.core_type<sc_vector_subcore>, window_params = [{transform_indices = #map}, {transform_indices = #map}, {transform_indices = #map}, {transform_indices = #map1}]} {
    %mul3A = arith.constant 2 : i32
    %mul3A_0 = arith.muli %arg1, %mul3A : i32
    %add3A = arith.addi %mul3A_0, %arg0 : i32
    %mul3A_1 = arith.constant 632 : i32
    %mul3A_2 = arith.muli %arg1, %mul3A_1 : i32
    %multiple_of3A = tpu.assume_multiple %mul3A_2, 8 : i32
    %mul3A_3 = arith.constant 96 : i32
    %mul3A_4 = arith.muli %add3A, %mul3A_3 : i32
    %multiple_of3A_5 = tpu.assume_multiple %mul3A_4, 8 : i32
    "tpu.region"() ({
      %run_scoped3A = tpu.sem_alloc : memref<!tpu.dma_semaphore, #tpu.memory_space<semaphore_mem>>
      %dma_start3A = arith.constant 0 : i32
      %dma_start3A_12 = tpu.memref_slice %arg8[%multiple_of3A, %dma_start3A] : memref<10112x128xf32, #tpu.memory_space<vmem_shared>> -> memref<632x128xf32, #tpu.memory_space<vmem_shared>>
      %dma_start3A_13 = arith.constant 0 : i32
      %dma_start3A_14 = tpu.memref_slice %arg4[%multiple_of3A, %dma_start3A_13] : memref<10112x128xf32, #tpu.memory_space<hbm>> -> memref<632x128xf32, #tpu.memory_space<hbm>>
      tpu.enqueue_dma source(%dma_start3A_14 : memref<632x128xf32, #tpu.memory_space<hbm>>) target(%dma_start3A_12 : memref<632x128xf32, #tpu.memory_space<vmem_shared>>) target_semaphore(%run_scoped3A : memref<!tpu.dma_semaphore, #tpu.memory_space<semaphore_mem>>)
      %dma_wait3A = arith.constant 0 : i32
      %dma_wait3A_15 = tpu.memref_slice %arg8[%multiple_of3A, %dma_wait3A] : memref<10112x128xf32, #tpu.memory_space<vmem_shared>> -> memref<632x128xf32, #tpu.memory_space<vmem_shared>>
      %dma_wait3A_16 = arith.constant 0 : i32
      %dma_wait3A_17 = tpu.memref_slice %arg4[%multiple_of3A, %dma_wait3A_16] : memref<10112x128xf32, #tpu.memory_space<hbm>> -> memref<632x128xf32, #tpu.memory_space<hbm>>
      tpu.wait_dma2 semaphore(%run_scoped3A : memref<!tpu.dma_semaphore, #tpu.memory_space<semaphore_mem>>) src(%dma_wait3A_17 : memref<632x128xf32, #tpu.memory_space<hbm>>) dst(%dma_wait3A_15 : memref<632x128xf32, #tpu.memory_space<vmem_shared>>)
      tpu.yield
    }) : () -> ()
    "tpu.region"() ({
      %run_scoped3A = tpu.sem_alloc : memref<!tpu.dma_semaphore, #tpu.memory_space<semaphore_mem>>
      %dma_start3A = arith.constant 0 : i32
      %dma_start3A_12 = tpu.memref_slice %arg2[%multiple_of3A_5, %dma_start3A] : memref<3072x112xi32, #tpu.memory_space<hbm>> -> memref<96x112xi32, #tpu.memory_space<hbm>>
      %dma_start3A_13 = arith.constant 0 : i32
      %dma_start3A_14 = tpu.memref_slice %arg2[%multiple_of3A_5, %dma_start3A_13] : memref<3072x112xi32, #tpu.memory_space<hbm>> -> memref<96x112xi32, #tpu.memory_space<hbm>>
      tpu.enqueue_dma source(%dma_start3A_14 : memref<96x112xi32, #tpu.memory_space<hbm>>) target(%arg6 : memref<96x112xi32, #tpu.memory_space<vmem>>) target_semaphore(%run_scoped3A : memref<!tpu.dma_semaphore, #tpu.memory_space<semaphore_mem>>)
      %dma_wait3A = arith.constant 0 : i32
      %dma_wait3A_15 = tpu.memref_slice %arg2[%multiple_of3A_5, %dma_wait3A] : memref<3072x112xi32, #tpu.memory_space<hbm>> -> memref<96x112xi32, #tpu.memory_space<hbm>>
      %dma_wait3A_16 = arith.constant 0 : i32
      %dma_wait3A_17 = tpu.memref_slice %arg2[%multiple_of3A_5, %dma_wait3A_16] : memref<3072x112xi32, #tpu.memory_space<hbm>> -> memref<96x112xi32, #tpu.memory_space<hbm>>
      tpu.wait_dma2 semaphore(%run_scoped3A : memref<!tpu.dma_semaphore, #tpu.memory_space<semaphore_mem>>) src(%dma_wait3A_17 : memref<96x112xi32, #tpu.memory_space<hbm>>) dst(%arg6 : memref<96x112xi32, #tpu.memory_space<vmem>>)
      tpu.yield
    }) : () -> ()
    "tpu.region"() ({
      %run_scoped3A = tpu.sem_alloc : memref<!tpu.dma_semaphore, #tpu.memory_space<semaphore_mem>>
      tpu.enqueue_dma source(%arg3 : memref<112x128xf32, #tpu.memory_space<hbm>>) target(%arg7 : memref<112x128xf32, #tpu.memory_space<vmem>>) target_semaphore(%run_scoped3A : memref<!tpu.dma_semaphore, #tpu.memory_space<semaphore_mem>>)
      tpu.wait_dma2 semaphore(%run_scoped3A : memref<!tpu.dma_semaphore, #tpu.memory_space<semaphore_mem>>) src(%arg3 : memref<112x128xf32, #tpu.memory_space<hbm>>) dst(%arg7 : memref<112x128xf32, #tpu.memory_space<vmem>>)
      tpu.yield
    }) : () -> ()
    %barrier3A = arith.constant 0 : index
    tpu.barrier barrier_id(%barrier3A)
    %scan3A = arith.constant 0 : i32
    %scan3A_6 = arith.constant 0 : i32
    %scan3A_7 = arith.constant 96 : i32
    %scan3A_8 = arith.addi %scan3A_6, %scan3A_7 : i32
    %scan3A_9 = arith.constant 1 : i32
    scf.for %scan3A_12 = %scan3A_6 to %scan3A_8 step %scan3A_9  : i32 {
      "tpu.region"() ({
        %run_scoped3A = tpu.sem_alloc : memref<!tpu.dma_semaphore, #tpu.memory_space<semaphore_mem>>
        %dma_start3A = arith.constant 0 : i32
        %dma_start3A_13 = tpu.memref_slice %arg6[%scan3A_12, %dma_start3A] : memref<96x112xi32, #tpu.memory_space<vmem>> -> memref<1x112xi32, #tpu.memory_space<vmem>>
        %dma_start3A_14 = tpu.memref_squeeze %dma_start3A_13 : memref<1x112xi32, #tpu.memory_space<vmem>> -> memref<112xi32, #tpu.memory_space<vmem>>
        %dma_start3A_15 = arith.constant 0 : i32
        %dma_start3A_16 = arith.constant 0 : i32
        %dma_start3A_17 = tpu.memref_slice %arg8[%dma_start3A_15, %dma_start3A_16] : memref<10112x128xf32, #tpu.memory_space<vmem_shared>> -> memref<10112x128xf32, #tpu.memory_space<vmem_shared>>
        tpu.enqueue_indirect_dma source(%arg7 : memref<112x128xf32, #tpu.memory_space<vmem>>) target(%dma_start3A_17 : memref<10112x128xf32, #tpu.memory_space<vmem_shared>>) offsets(%dma_start3A_14 : memref<112xi32, #tpu.memory_space<vmem>>) semaphore(%run_scoped3A : memref<!tpu.dma_semaphore, #tpu.memory_space<semaphore_mem>>) {add = true}
        %dma_wait3A = arith.constant 0 : i32
        %dma_wait3A_18 = tpu.memref_slice %arg6[%scan3A_12, %dma_wait3A] : memref<96x112xi32, #tpu.memory_space<vmem>> -> memref<1x112xi32, #tpu.memory_space<vmem>>
        %dma_wait3A_19 = tpu.memref_squeeze %dma_wait3A_18 : memref<1x112xi32, #tpu.memory_space<vmem>> -> memref<112xi32, #tpu.memory_space<vmem>>
        %dma_wait3A_20 = arith.constant 0 : i32
        %dma_wait3A_21 = arith.constant 0 : i32
        %dma_wait3A_22 = tpu.memref_slice %arg8[%dma_wait3A_20, %dma_wait3A_21] : memref<10112x128xf32, #tpu.memory_space<vmem_shared>> -> memref<10112x128xf32, #tpu.memory_space<vmem_shared>>
        tpu.wait_indirect_dma semaphore(%run_scoped3A : memref<!tpu.dma_semaphore, #tpu.memory_space<semaphore_mem>>) src(%arg7 : memref<112x128xf32, #tpu.memory_space<vmem>>) dst(%dma_wait3A_22 : memref<10112x128xf32, #tpu.memory_space<vmem_shared>>)
        tpu.yield
      }) : () -> ()
    }
    %scan3A_10 = arith.constant 96 : i32
    %barrier3A_11 = arith.constant 0 : index
    tpu.barrier barrier_id(%barrier3A_11)
    "tpu.region"() ({
      %run_scoped3A = tpu.sem_alloc : memref<!tpu.dma_semaphore, #tpu.memory_space<semaphore_mem>>
      %dma_start3A = arith.constant 0 : i32
      %dma_start3A_12 = tpu.memref_slice %arg5[%arg0, %multiple_of3A, %dma_start3A] : memref<2x10112x128xf32, #tpu.memory_space<hbm>> -> memref<1x632x128xf32, #tpu.memory_space<hbm>>
      %dma_start3A_13 = tpu.memref_squeeze %dma_start3A_12 : memref<1x632x128xf32, #tpu.memory_space<hbm>> -> memref<632x128xf32, #tpu.memory_space<hbm>>
      %dma_start3A_14 = arith.constant 0 : i32
      %dma_start3A_15 = tpu.memref_slice %arg8[%multiple_of3A, %dma_start3A_14] : memref<10112x128xf32, #tpu.memory_space<vmem_shared>> -> memref<632x128xf32, #tpu.memory_space<vmem_shared>>
      tpu.enqueue_dma source(%dma_start3A_15 : memref<632x128xf32, #tpu.memory_space<vmem_shared>>) target(%dma_start3A_13 : memref<632x128xf32, #tpu.memory_space<hbm>>) target_semaphore(%run_scoped3A : memref<!tpu.dma_semaphore, #tpu.memory_space<semaphore_mem>>)
      %dma_wait3A = arith.constant 0 : i32
      %dma_wait3A_16 = tpu.memref_slice %arg5[%arg0, %multiple_of3A, %dma_wait3A] : memref<2x10112x128xf32, #tpu.memory_space<hbm>> -> memref<1x632x128xf32, #tpu.memory_space<hbm>>
      %dma_wait3A_17 = tpu.memref_squeeze %dma_wait3A_16 : memref<1x632x128xf32, #tpu.memory_space<hbm>> -> memref<632x128xf32, #tpu.memory_space<hbm>>
      %dma_wait3A_18 = arith.constant 0 : i32
      %dma_wait3A_19 = tpu.memref_slice %arg8[%multiple_of3A, %dma_wait3A_18] : memref<10112x128xf32, #tpu.memory_space<vmem_shared>> -> memref<632x128xf32, #tpu.memory_space<vmem_shared>>
      tpu.wait_dma2 semaphore(%run_scoped3A : memref<!tpu.dma_semaphore, #tpu.memory_space<semaphore_mem>>) src(%dma_wait3A_19 : memref<632x128xf32, #tpu.memory_space<vmem_shared>>) dst(%dma_wait3A_17 : memref<632x128xf32, #tpu.memory_space<hbm>>)
      tpu.yield
    }) : () -> ()
    return
  }
}

#map = affine_map<(d0, d1) -> (0, 0)>
#map1 = affine_map<(d0, d1) -> (0, 0, 0)>
module attributes {stable_mosaic.version = 14 : i64} {
  func.func @_scat_kernel(%arg0: i32, %arg1: i32, %arg2: memref<10112x128xf32, #tpu.memory_space<hbm>>, %arg3: memref<3072x112xi32, #tpu.memory_space<hbm>>, %arg4: memref<3072x112xi32, #tpu.memory_space<hbm>>, %arg5: memref<10112x128xf32, #tpu.memory_space<hbm>>, %arg6: memref<2x10112x128xf32, #tpu.memory_space<hbm>>, %arg7: memref<24x112xi32, #tpu.memory_space<vmem>>, %arg8: memref<24x112xi32, #tpu.memory_space<vmem>>, %arg9: memref<112x128xf32, #tpu.memory_space<vmem>>, %arg10: memref<112x128xf32, #tpu.memory_space<vmem>>, %arg11: memref<112x128xf32, #tpu.memory_space<vmem>>, %arg12: memref<!tpu.dma_semaphore, #tpu.memory_space<semaphore_mem>>, %arg13: memref<!tpu.dma_semaphore, #tpu.memory_space<semaphore_mem>>, %arg14: memref<!tpu.dma_semaphore, #tpu.memory_space<semaphore_mem>>, %arg15: memref<10112x128xf32, #tpu.memory_space<vmem_shared>>) attributes {dimension_semantics = [#tpu.dimension_semantics<core_parallel>, #tpu.dimension_semantics<subcore_parallel>], iteration_bounds = array<i64: 2, 16>, scalar_prefetch = 0 : i64, scratch_operands = 9 : i64, tpu.core_type = #tpu.core_type<sc_vector_subcore>, window_params = [{transform_indices = #map}, {transform_indices = #map}, {transform_indices = #map}, {transform_indices = #map}, {transform_indices = #map1}]} {
    %mul3A = arith.constant 632 : i32
    %mul3A_0 = arith.muli %arg1, %mul3A : i32
    %multiple_of3A = tpu.assume_multiple %mul3A_0, 8 : i32
    %eq3A = arith.constant 0 : i32
    %eq3A_1 = arith.cmpi eq, %arg0, %eq3A : i32
    %mul3A_2 = arith.constant 96 : i32
    %mul3A_3 = arith.muli %arg1, %mul3A_2 : i32
    %mul3A_4 = arith.constant 96 : i32
    %mul3A_5 = arith.muli %arg1, %mul3A_4 : i32
    %add3A = arith.constant 1536 : i32
    %add3A_6 = arith.addi %add3A, %mul3A_5 : i32
    %select_n3A = arith.select %eq3A_1, %mul3A_3, %add3A_6 : i32
    %eq3A_7 = arith.constant 0 : i32
    %eq3A_8 = arith.cmpi eq, %arg0, %eq3A_7 : i32
    %select_n3A_9 = arith.constant 4 : i32
    %select_n3A_10 = arith.constant 4 : i32
    %select_n3A_11 = arith.select %eq3A_8, %select_n3A_10, %select_n3A_9 : i32
    "tpu.region"() ({
      %run_scoped3A = tpu.sem_alloc : memref<!tpu.dma_semaphore, #tpu.memory_space<semaphore_mem>>
      %dma_start3A = arith.constant 0 : i32
      %dma_start3A_22 = tpu.memref_slice %arg15[%multiple_of3A, %dma_start3A] : memref<10112x128xf32, #tpu.memory_space<vmem_shared>> -> memref<632x128xf32, #tpu.memory_space<vmem_shared>>
      %dma_start3A_23 = arith.constant 0 : i32
      %dma_start3A_24 = tpu.memref_slice %arg5[%multiple_of3A, %dma_start3A_23] : memref<10112x128xf32, #tpu.memory_space<hbm>> -> memref<632x128xf32, #tpu.memory_space<hbm>>
      tpu.enqueue_dma source(%dma_start3A_24 : memref<632x128xf32, #tpu.memory_space<hbm>>) target(%dma_start3A_22 : memref<632x128xf32, #tpu.memory_space<vmem_shared>>) target_semaphore(%run_scoped3A : memref<!tpu.dma_semaphore, #tpu.memory_space<semaphore_mem>>)
      %dma_wait3A = arith.constant 0 : i32
      %dma_wait3A_25 = tpu.memref_slice %arg15[%multiple_of3A, %dma_wait3A] : memref<10112x128xf32, #tpu.memory_space<vmem_shared>> -> memref<632x128xf32, #tpu.memory_space<vmem_shared>>
      %dma_wait3A_26 = arith.constant 0 : i32
      %dma_wait3A_27 = tpu.memref_slice %arg5[%multiple_of3A, %dma_wait3A_26] : memref<10112x128xf32, #tpu.memory_space<hbm>> -> memref<632x128xf32, #tpu.memory_space<hbm>>
      tpu.wait_dma2 semaphore(%run_scoped3A : memref<!tpu.dma_semaphore, #tpu.memory_space<semaphore_mem>>) src(%dma_wait3A_27 : memref<632x128xf32, #tpu.memory_space<hbm>>) dst(%dma_wait3A_25 : memref<632x128xf32, #tpu.memory_space<vmem_shared>>)
      tpu.yield
    }) : () -> ()
    %barrier3A = arith.constant 0 : index
    tpu.barrier barrier_id(%barrier3A)
    %while3A = arith.constant 0 : i32
    %while3A_12 = arith.constant 0 : i32
    %while3A_13 = arith.subi %select_n3A_11, %while3A_12 : i32
    %while3A_14 = arith.addi %while3A_12, %while3A_13 : i32
    %while3A_15 = arith.constant 1 : i32
    %while3A_16 = arith.divsi %while3A_13, %while3A_15 : i32
    %while3A_17 = arith.muli %while3A_16, %while3A_15 : i32
    %while3A_18 = arith.addi %while3A_12, %while3A_17 : i32
    %while3A_19 = arith.constant 1 : i32
    scf.for %while3A_22 = %while3A_12 to %while3A_18 step %while3A_19  : i32 {
      %mul3A_23 = arith.constant 24 : i32
      %mul3A_24 = arith.muli %while3A_22, %mul3A_23 : i32
      %add3A_25 = arith.addi %select_n3A, %mul3A_24 : i32
      %multiple_of3A_26 = tpu.assume_multiple %add3A_25, 8 : i32
      "tpu.region"() ({
        %run_scoped3A = tpu.sem_alloc : memref<!tpu.dma_semaphore, #tpu.memory_space<semaphore_mem>>
        %dma_start3A_52 = arith.constant 0 : i32
        %dma_start3A_53 = tpu.memref_slice %arg3[%multiple_of3A_26, %dma_start3A_52] : memref<3072x112xi32, #tpu.memory_space<hbm>> -> memref<24x112xi32, #tpu.memory_space<hbm>>
        %dma_start3A_54 = arith.constant 0 : i32
        %dma_start3A_55 = tpu.memref_slice %arg3[%multiple_of3A_26, %dma_start3A_54] : memref<3072x112xi32, #tpu.memory_space<hbm>> -> memref<24x112xi32, #tpu.memory_space<hbm>>
        tpu.enqueue_dma source(%dma_start3A_55 : memref<24x112xi32, #tpu.memory_space<hbm>>) target(%arg7 : memref<24x112xi32, #tpu.memory_space<vmem>>) target_semaphore(%run_scoped3A : memref<!tpu.dma_semaphore, #tpu.memory_space<semaphore_mem>>)
        %dma_wait3A = arith.constant 0 : i32
        %dma_wait3A_56 = tpu.memref_slice %arg3[%multiple_of3A_26, %dma_wait3A] : memref<3072x112xi32, #tpu.memory_space<hbm>> -> memref<24x112xi32, #tpu.memory_space<hbm>>
        %dma_wait3A_57 = arith.constant 0 : i32
        %dma_wait3A_58 = tpu.memref_slice %arg3[%multiple_of3A_26, %dma_wait3A_57] : memref<3072x112xi32, #tpu.memory_space<hbm>> -> memref<24x112xi32, #tpu.memory_space<hbm>>
        tpu.wait_dma2 semaphore(%run_scoped3A : memref<!tpu.dma_semaphore, #tpu.memory_space<semaphore_mem>>) src(%dma_wait3A_58 : memref<24x112xi32, #tpu.memory_space<hbm>>) dst(%arg7 : memref<24x112xi32, #tpu.memory_space<vmem>>)
        tpu.yield
      }) : () -> ()
      "tpu.region"() ({
        %run_scoped3A = tpu.sem_alloc : memref<!tpu.dma_semaphore, #tpu.memory_space<semaphore_mem>>
        %dma_start3A_52 = arith.constant 0 : i32
        %dma_start3A_53 = tpu.memref_slice %arg4[%multiple_of3A_26, %dma_start3A_52] : memref<3072x112xi32, #tpu.memory_space<hbm>> -> memref<24x112xi32, #tpu.memory_space<hbm>>
        %dma_start3A_54 = arith.constant 0 : i32
        %dma_start3A_55 = tpu.memref_slice %arg4[%multiple_of3A_26, %dma_start3A_54] : memref<3072x112xi32, #tpu.memory_space<hbm>> -> memref<24x112xi32, #tpu.memory_space<hbm>>
        tpu.enqueue_dma source(%dma_start3A_55 : memref<24x112xi32, #tpu.memory_space<hbm>>) target(%arg8 : memref<24x112xi32, #tpu.memory_space<vmem>>) target_semaphore(%run_scoped3A : memref<!tpu.dma_semaphore, #tpu.memory_space<semaphore_mem>>)
        %dma_wait3A = arith.constant 0 : i32
        %dma_wait3A_56 = tpu.memref_slice %arg4[%multiple_of3A_26, %dma_wait3A] : memref<3072x112xi32, #tpu.memory_space<hbm>> -> memref<24x112xi32, #tpu.memory_space<hbm>>
        %dma_wait3A_57 = arith.constant 0 : i32
        %dma_wait3A_58 = tpu.memref_slice %arg4[%multiple_of3A_26, %dma_wait3A_57] : memref<3072x112xi32, #tpu.memory_space<hbm>> -> memref<24x112xi32, #tpu.memory_space<hbm>>
        tpu.wait_dma2 semaphore(%run_scoped3A : memref<!tpu.dma_semaphore, #tpu.memory_space<semaphore_mem>>) src(%dma_wait3A_58 : memref<24x112xi32, #tpu.memory_space<hbm>>) dst(%arg8 : memref<24x112xi32, #tpu.memory_space<vmem>>)
        tpu.yield
      }) : () -> ()
      %dma_start3A = arith.constant 0 : i32
      %dma_start3A_27 = arith.constant 0 : i32
      %dma_start3A_28 = tpu.memref_slice %arg7[%dma_start3A, %dma_start3A_27] : memref<24x112xi32, #tpu.memory_space<vmem>> -> memref<1x112xi32, #tpu.memory_space<vmem>>
      %dma_start3A_29 = tpu.memref_squeeze %dma_start3A_28 : memref<1x112xi32, #tpu.memory_space<vmem>> -> memref<112xi32, #tpu.memory_space<vmem>>
      %dma_start3A_30 = arith.constant 0 : i32
      %dma_start3A_31 = arith.constant 0 : i32
      %dma_start3A_32 = tpu.memref_slice %arg2[%dma_start3A_30, %dma_start3A_31] : memref<10112x128xf32, #tpu.memory_space<hbm>> -> memref<10112x128xf32, #tpu.memory_space<hbm>>
      tpu.enqueue_indirect_dma source(%dma_start3A_32 : memref<10112x128xf32, #tpu.memory_space<hbm>>) target(%arg9 : memref<112x128xf32, #tpu.memory_space<vmem>>) offsets(%dma_start3A_29 : memref<112xi32, #tpu.memory_space<vmem>>) semaphore(%arg12 : memref<!tpu.dma_semaphore, #tpu.memory_space<semaphore_mem>>)
      %dma_start3A_33 = arith.constant 1 : i32
      %dma_start3A_34 = arith.constant 0 : i32
      %dma_start3A_35 = tpu.memref_slice %arg7[%dma_start3A_33, %dma_start3A_34] : memref<24x112xi32, #tpu.memory_space<vmem>> -> memref<1x112xi32, #tpu.memory_space<vmem>>
      %dma_start3A_36 = tpu.memref_squeeze %dma_start3A_35 : memref<1x112xi32, #tpu.memory_space<vmem>> -> memref<112xi32, #tpu.memory_space<vmem>>
      %dma_start3A_37 = arith.constant 0 : i32
      %dma_start3A_38 = arith.constant 0 : i32
      %dma_start3A_39 = tpu.memref_slice %arg2[%dma_start3A_37, %dma_start3A_38] : memref<10112x128xf32, #tpu.memory_space<hbm>> -> memref<10112x128xf32, #tpu.memory_space<hbm>>
      tpu.enqueue_indirect_dma source(%dma_start3A_39 : memref<10112x128xf32, #tpu.memory_space<hbm>>) target(%arg10 : memref<112x128xf32, #tpu.memory_space<vmem>>) offsets(%dma_start3A_36 : memref<112xi32, #tpu.memory_space<vmem>>) semaphore(%arg13 : memref<!tpu.dma_semaphore, #tpu.memory_space<semaphore_mem>>)
      %dma_start3A_40 = arith.constant 2 : i32
      %dma_start3A_41 = arith.constant 0 : i32
      %dma_start3A_42 = tpu.memref_slice %arg7[%dma_start3A_40, %dma_start3A_41] : memref<24x112xi32, #tpu.memory_space<vmem>> -> memref<1x112xi32, #tpu.memory_space<vmem>>
      %dma_start3A_43 = tpu.memref_squeeze %dma_start3A_42 : memref<1x112xi32, #tpu.memory_space<vmem>> -> memref<112xi32, #tpu.memory_space<vmem>>
      %dma_start3A_44 = arith.constant 0 : i32
      %dma_start3A_45 = arith.constant 0 : i32
      %dma_start3A_46 = tpu.memref_slice %arg2[%dma_start3A_44, %dma_start3A_45] : memref<10112x128xf32, #tpu.memory_space<hbm>> -> memref<10112x128xf32, #tpu.memory_space<hbm>>
      tpu.enqueue_indirect_dma source(%dma_start3A_46 : memref<10112x128xf32, #tpu.memory_space<hbm>>) target(%arg11 : memref<112x128xf32, #tpu.memory_space<vmem>>) offsets(%dma_start3A_43 : memref<112xi32, #tpu.memory_space<vmem>>) semaphore(%arg14 : memref<!tpu.dma_semaphore, #tpu.memory_space<semaphore_mem>>)
      %scan3A = arith.constant 0 : i32
      %scan3A_47 = arith.constant 0 : i32
      %scan3A_48 = arith.constant 8 : i32
      %scan3A_49 = arith.addi %scan3A_47, %scan3A_48 : i32
      %scan3A_50 = arith.constant 1 : i32
      scf.for %scan3A_52 = %scan3A_47 to %scan3A_49 step %scan3A_50  : i32 {
        %mul3A_53 = arith.constant 3 : i32
        %mul3A_54 = arith.muli %scan3A_52, %mul3A_53 : i32
        %add3A_55 = arith.constant 0 : i32
        %add3A_56 = arith.addi %mul3A_54, %add3A_55 : i32
        %dma_wait3A = arith.constant 0 : i32
        %dma_wait3A_57 = tpu.memref_slice %arg7[%add3A_56, %dma_wait3A] : memref<24x112xi32, #tpu.memory_space<vmem>> -> memref<1x112xi32, #tpu.memory_space<vmem>>
        %dma_wait3A_58 = tpu.memref_squeeze %dma_wait3A_57 : memref<1x112xi32, #tpu.memory_space<vmem>> -> memref<112xi32, #tpu.memory_space<vmem>>
        %dma_wait3A_59 = arith.constant 0 : i32
        %dma_wait3A_60 = arith.constant 0 : i32
        %dma_wait3A_61 = tpu.memref_slice %arg2[%dma_wait3A_59, %dma_wait3A_60] : memref<10112x128xf32, #tpu.memory_space<hbm>> -> memref<10112x128xf32, #tpu.memory_space<hbm>>
        tpu.wait_indirect_dma semaphore(%arg12 : memref<!tpu.dma_semaphore, #tpu.memory_space<semaphore_mem>>) src(%dma_wait3A_61 : memref<10112x128xf32, #tpu.memory_space<hbm>>) dst(%arg9 : memref<112x128xf32, #tpu.memory_space<vmem>>)
        "tpu.region"() ({
          %run_scoped3A = tpu.sem_alloc : memref<!tpu.dma_semaphore, #tpu.memory_space<semaphore_mem>>
          %dma_start3A_100 = arith.constant 0 : i32
          %dma_start3A_101 = tpu.memref_slice %arg8[%add3A_56, %dma_start3A_100] : memref<24x112xi32, #tpu.memory_space<vmem>> -> memref<1x112xi32, #tpu.memory_space<vmem>>
          %dma_start3A_102 = tpu.memref_squeeze %dma_start3A_101 : memref<1x112xi32, #tpu.memory_space<vmem>> -> memref<112xi32, #tpu.memory_space<vmem>>
          %dma_start3A_103 = arith.constant 0 : i32
          %dma_start3A_104 = arith.constant 0 : i32
          %dma_start3A_105 = tpu.memref_slice %arg15[%dma_start3A_103, %dma_start3A_104] : memref<10112x128xf32, #tpu.memory_space<vmem_shared>> -> memref<10112x128xf32, #tpu.memory_space<vmem_shared>>
          tpu.enqueue_indirect_dma source(%arg9 : memref<112x128xf32, #tpu.memory_space<vmem>>) target(%dma_start3A_105 : memref<10112x128xf32, #tpu.memory_space<vmem_shared>>) offsets(%dma_start3A_102 : memref<112xi32, #tpu.memory_space<vmem>>) semaphore(%run_scoped3A : memref<!tpu.dma_semaphore, #tpu.memory_space<semaphore_mem>>) {add = true}
          %dma_wait3A_106 = arith.constant 0 : i32
          %dma_wait3A_107 = tpu.memref_slice %arg8[%add3A_56, %dma_wait3A_106] : memref<24x112xi32, #tpu.memory_space<vmem>> -> memref<1x112xi32, #tpu.memory_space<vmem>>
          %dma_wait3A_108 = tpu.memref_squeeze %dma_wait3A_107 : memref<1x112xi32, #tpu.memory_space<vmem>> -> memref<112xi32, #tpu.memory_space<vmem>>
          %dma_wait3A_109 = arith.constant 0 : i32
          %dma_wait3A_110 = arith.constant 0 : i32
          %dma_wait3A_111 = tpu.memref_slice %arg15[%dma_wait3A_109, %dma_wait3A_110] : memref<10112x128xf32, #tpu.memory_space<vmem_shared>> -> memref<10112x128xf32, #tpu.memory_space<vmem_shared>>
          tpu.wait_indirect_dma semaphore(%run_scoped3A : memref<!tpu.dma_semaphore, #tpu.memory_space<semaphore_mem>>) src(%arg9 : memref<112x128xf32, #tpu.memory_space<vmem>>) dst(%dma_wait3A_111 : memref<10112x128xf32, #tpu.memory_space<vmem_shared>>)
          tpu.yield
        }) : () -> ()
        %add3A_62 = arith.constant 3 : i32
        %add3A_63 = arith.addi %add3A_56, %add3A_62 : i32
        %lt3A = arith.constant 24 : i32
        %lt3A_64 = arith.cmpi slt, %add3A_63, %lt3A : i32
        %convert_element_type3A = arith.extui %lt3A_64 : i1 to i32
        %cond3A = arith.constant 0 : i32
        %cond3A_65 = arith.cmpi ne, %convert_element_type3A, %cond3A : i32
        scf.if %cond3A_65 {
          %dma_start3A_100 = arith.constant 0 : i32
          %dma_start3A_101 = tpu.memref_slice %arg7[%add3A_63, %dma_start3A_100] : memref<24x112xi32, #tpu.memory_space<vmem>> -> memref<1x112xi32, #tpu.memory_space<vmem>>
          %dma_start3A_102 = tpu.memref_squeeze %dma_start3A_101 : memref<1x112xi32, #tpu.memory_space<vmem>> -> memref<112xi32, #tpu.memory_space<vmem>>
          %dma_start3A_103 = arith.constant 0 : i32
          %dma_start3A_104 = arith.constant 0 : i32
          %dma_start3A_105 = tpu.memref_slice %arg2[%dma_start3A_103, %dma_start3A_104] : memref<10112x128xf32, #tpu.memory_space<hbm>> -> memref<10112x128xf32, #tpu.memory_space<hbm>>
          tpu.enqueue_indirect_dma source(%dma_start3A_105 : memref<10112x128xf32, #tpu.memory_space<hbm>>) target(%arg9 : memref<112x128xf32, #tpu.memory_space<vmem>>) offsets(%dma_start3A_102 : memref<112xi32, #tpu.memory_space<vmem>>) semaphore(%arg12 : memref<!tpu.dma_semaphore, #tpu.memory_space<semaphore_mem>>)
        } else {
        }
        %mul3A_66 = arith.constant 3 : i32
        %mul3A_67 = arith.muli %scan3A_52, %mul3A_66 : i32
        %add3A_68 = arith.constant 1 : i32
        %add3A_69 = arith.addi %mul3A_67, %add3A_68 : i32
        %dma_wait3A_70 = arith.constant 0 : i32
        %dma_wait3A_71 = tpu.memref_slice %arg7[%add3A_69, %dma_wait3A_70] : memref<24x112xi32, #tpu.memory_space<vmem>> -> memref<1x112xi32, #tpu.memory_space<vmem>>
        %dma_wait3A_72 = tpu.memref_squeeze %dma_wait3A_71 : memref<1x112xi32, #tpu.memory_space<vmem>> -> memref<112xi32, #tpu.memory_space<vmem>>
        %dma_wait3A_73 = arith.constant 0 : i32
        %dma_wait3A_74 = arith.constant 0 : i32
        %dma_wait3A_75 = tpu.memref_slice %arg2[%dma_wait3A_73, %dma_wait3A_74] : memref<10112x128xf32, #tpu.memory_space<hbm>> -> memref<10112x128xf32, #tpu.memory_space<hbm>>
        tpu.wait_indirect_dma semaphore(%arg13 : memref<!tpu.dma_semaphore, #tpu.memory_space<semaphore_mem>>) src(%dma_wait3A_75 : memref<10112x128xf32, #tpu.memory_space<hbm>>) dst(%arg10 : memref<112x128xf32, #tpu.memory_space<vmem>>)
        "tpu.region"() ({
          %run_scoped3A = tpu.sem_alloc : memref<!tpu.dma_semaphore, #tpu.memory_space<semaphore_mem>>
          %dma_start3A_100 = arith.constant 0 : i32
          %dma_start3A_101 = tpu.memref_slice %arg8[%add3A_69, %dma_start3A_100] : memref<24x112xi32, #tpu.memory_space<vmem>> -> memref<1x112xi32, #tpu.memory_space<vmem>>
          %dma_start3A_102 = tpu.memref_squeeze %dma_start3A_101 : memref<1x112xi32, #tpu.memory_space<vmem>> -> memref<112xi32, #tpu.memory_space<vmem>>
          %dma_start3A_103 = arith.constant 0 : i32
          %dma_start3A_104 = arith.constant 0 : i32
          %dma_start3A_105 = tpu.memref_slice %arg15[%dma_start3A_103, %dma_start3A_104] : memref<10112x128xf32, #tpu.memory_space<vmem_shared>> -> memref<10112x128xf32, #tpu.memory_space<vmem_shared>>
          tpu.enqueue_indirect_dma source(%arg10 : memref<112x128xf32, #tpu.memory_space<vmem>>) target(%dma_start3A_105 : memref<10112x128xf32, #tpu.memory_space<vmem_shared>>) offsets(%dma_start3A_102 : memref<112xi32, #tpu.memory_space<vmem>>) semaphore(%run_scoped3A : memref<!tpu.dma_semaphore, #tpu.memory_space<semaphore_mem>>) {add = true}
          %dma_wait3A_106 = arith.constant 0 : i32
          %dma_wait3A_107 = tpu.memref_slice %arg8[%add3A_69, %dma_wait3A_106] : memref<24x112xi32, #tpu.memory_space<vmem>> -> memref<1x112xi32, #tpu.memory_space<vmem>>
          %dma_wait3A_108 = tpu.memref_squeeze %dma_wait3A_107 : memref<1x112xi32, #tpu.memory_space<vmem>> -> memref<112xi32, #tpu.memory_space<vmem>>
          %dma_wait3A_109 = arith.constant 0 : i32
          %dma_wait3A_110 = arith.constant 0 : i32
          %dma_wait3A_111 = tpu.memref_slice %arg15[%dma_wait3A_109, %dma_wait3A_110] : memref<10112x128xf32, #tpu.memory_space<vmem_shared>> -> memref<10112x128xf32, #tpu.memory_space<vmem_shared>>
          tpu.wait_indirect_dma semaphore(%run_scoped3A : memref<!tpu.dma_semaphore, #tpu.memory_space<semaphore_mem>>) src(%arg10 : memref<112x128xf32, #tpu.memory_space<vmem>>) dst(%dma_wait3A_111 : memref<10112x128xf32, #tpu.memory_space<vmem_shared>>)
          tpu.yield
        }) : () -> ()
        %add3A_76 = arith.constant 3 : i32
        %add3A_77 = arith.addi %add3A_69, %add3A_76 : i32
        %lt3A_78 = arith.constant 24 : i32
        %lt3A_79 = arith.cmpi slt, %add3A_77, %lt3A_78 : i32
        %convert_element_type3A_80 = arith.extui %lt3A_79 : i1 to i32
        %cond3A_81 = arith.constant 0 : i32
        %cond3A_82 = arith.cmpi ne, %convert_element_type3A_80, %cond3A_81 : i32
        scf.if %cond3A_82 {
          %dma_start3A_100 = arith.constant 0 : i32
          %dma_start3A_101 = tpu.memref_slice %arg7[%add3A_77, %dma_start3A_100] : memref<24x112xi32, #tpu.memory_space<vmem>> -> memref<1x112xi32, #tpu.memory_space<vmem>>
          %dma_start3A_102 = tpu.memref_squeeze %dma_start3A_101 : memref<1x112xi32, #tpu.memory_space<vmem>> -> memref<112xi32, #tpu.memory_space<vmem>>
          %dma_start3A_103 = arith.constant 0 : i32
          %dma_start3A_104 = arith.constant 0 : i32
          %dma_start3A_105 = tpu.memref_slice %arg2[%dma_start3A_103, %dma_start3A_104] : memref<10112x128xf32, #tpu.memory_space<hbm>> -> memref<10112x128xf32, #tpu.memory_space<hbm>>
          tpu.enqueue_indirect_dma source(%dma_start3A_105 : memref<10112x128xf32, #tpu.memory_space<hbm>>) target(%arg10 : memref<112x128xf32, #tpu.memory_space<vmem>>) offsets(%dma_start3A_102 : memref<112xi32, #tpu.memory_space<vmem>>) semaphore(%arg13 : memref<!tpu.dma_semaphore, #tpu.memory_space<semaphore_mem>>)
        } else {
        }
        %mul3A_83 = arith.constant 3 : i32
        %mul3A_84 = arith.muli %scan3A_52, %mul3A_83 : i32
        %add3A_85 = arith.constant 2 : i32
        %add3A_86 = arith.addi %mul3A_84, %add3A_85 : i32
        %dma_wait3A_87 = arith.constant 0 : i32
        %dma_wait3A_88 = tpu.memref_slice %arg7[%add3A_86, %dma_wait3A_87] : memref<24x112xi32, #tpu.memory_space<vmem>> -> memref<1x112xi32, #tpu.memory_space<vmem>>
        %dma_wait3A_89 = tpu.memref_squeeze %dma_wait3A_88 : memref<1x112xi32, #tpu.memory_space<vmem>> -> memref<112xi32, #tpu.memory_space<vmem>>
        %dma_wait3A_90 = arith.constant 0 : i32
        %dma_wait3A_91 = arith.constant 0 : i32
        %dma_wait3A_92 = tpu.memref_slice %arg2[%dma_wait3A_90, %dma_wait3A_91] : memref<10112x128xf32, #tpu.memory_space<hbm>> -> memref<10112x128xf32, #tpu.memory_space<hbm>>
        tpu.wait_indirect_dma semaphore(%arg14 : memref<!tpu.dma_semaphore, #tpu.memory_space<semaphore_mem>>) src(%dma_wait3A_92 : memref<10112x128xf32, #tpu.memory_space<hbm>>) dst(%arg11 : memref<112x128xf32, #tpu.memory_space<vmem>>)
        "tpu.region"() ({
          %run_scoped3A = tpu.sem_alloc : memref<!tpu.dma_semaphore, #tpu.memory_space<semaphore_mem>>
          %dma_start3A_100 = arith.constant 0 : i32
          %dma_start3A_101 = tpu.memref_slice %arg8[%add3A_86, %dma_start3A_100] : memref<24x112xi32, #tpu.memory_space<vmem>> -> memref<1x112xi32, #tpu.memory_space<vmem>>
          %dma_start3A_102 = tpu.memref_squeeze %dma_start3A_101 : memref<1x112xi32, #tpu.memory_space<vmem>> -> memref<112xi32, #tpu.memory_space<vmem>>
          %dma_start3A_103 = arith.constant 0 : i32
          %dma_start3A_104 = arith.constant 0 : i32
          %dma_start3A_105 = tpu.memref_slice %arg15[%dma_start3A_103, %dma_start3A_104] : memref<10112x128xf32, #tpu.memory_space<vmem_shared>> -> memref<10112x128xf32, #tpu.memory_space<vmem_shared>>
          tpu.enqueue_indirect_dma source(%arg11 : memref<112x128xf32, #tpu.memory_space<vmem>>) target(%dma_start3A_105 : memref<10112x128xf32, #tpu.memory_space<vmem_shared>>) offsets(%dma_start3A_102 : memref<112xi32, #tpu.memory_space<vmem>>) semaphore(%run_scoped3A : memref<!tpu.dma_semaphore, #tpu.memory_space<semaphore_mem>>) {add = true}
          %dma_wait3A_106 = arith.constant 0 : i32
          %dma_wait3A_107 = tpu.memref_slice %arg8[%add3A_86, %dma_wait3A_106] : memref<24x112xi32, #tpu.memory_space<vmem>> -> memref<1x112xi32, #tpu.memory_space<vmem>>
          %dma_wait3A_108 = tpu.memref_squeeze %dma_wait3A_107 : memref<1x112xi32, #tpu.memory_space<vmem>> -> memref<112xi32, #tpu.memory_space<vmem>>
          %dma_wait3A_109 = arith.constant 0 : i32
          %dma_wait3A_110 = arith.constant 0 : i32
          %dma_wait3A_111 = tpu.memref_slice %arg15[%dma_wait3A_109, %dma_wait3A_110] : memref<10112x128xf32, #tpu.memory_space<vmem_shared>> -> memref<10112x128xf32, #tpu.memory_space<vmem_shared>>
          tpu.wait_indirect_dma semaphore(%run_scoped3A : memref<!tpu.dma_semaphore, #tpu.memory_space<semaphore_mem>>) src(%arg11 : memref<112x128xf32, #tpu.memory_space<vmem>>) dst(%dma_wait3A_111 : memref<10112x128xf32, #tpu.memory_space<vmem_shared>>)
          tpu.yield
        }) : () -> ()
        %add3A_93 = arith.constant 3 : i32
        %add3A_94 = arith.addi %add3A_86, %add3A_93 : i32
        %lt3A_95 = arith.constant 24 : i32
        %lt3A_96 = arith.cmpi slt, %add3A_94, %lt3A_95 : i32
        %convert_element_type3A_97 = arith.extui %lt3A_96 : i1 to i32
        %cond3A_98 = arith.constant 0 : i32
        %cond3A_99 = arith.cmpi ne, %convert_element_type3A_97, %cond3A_98 : i32
        scf.if %cond3A_99 {
          %dma_start3A_100 = arith.constant 0 : i32
          %dma_start3A_101 = tpu.memref_slice %arg7[%add3A_94, %dma_start3A_100] : memref<24x112xi32, #tpu.memory_space<vmem>> -> memref<1x112xi32, #tpu.memory_space<vmem>>
          %dma_start3A_102 = tpu.memref_squeeze %dma_start3A_101 : memref<1x112xi32, #tpu.memory_space<vmem>> -> memref<112xi32, #tpu.memory_space<vmem>>
          %dma_start3A_103 = arith.constant 0 : i32
          %dma_start3A_104 = arith.constant 0 : i32
          %dma_start3A_105 = tpu.memref_slice %arg2[%dma_start3A_103, %dma_start3A_104] : memref<10112x128xf32, #tpu.memory_space<hbm>> -> memref<10112x128xf32, #tpu.memory_space<hbm>>
          tpu.enqueue_indirect_dma source(%dma_start3A_105 : memref<10112x128xf32, #tpu.memory_space<hbm>>) target(%arg11 : memref<112x128xf32, #tpu.memory_space<vmem>>) offsets(%dma_start3A_102 : memref<112xi32, #tpu.memory_space<vmem>>) semaphore(%arg14 : memref<!tpu.dma_semaphore, #tpu.memory_space<semaphore_mem>>)
        } else {
        }
      }
      %scan3A_51 = arith.constant 8 : i32
    }
    %while3A_20 = arith.constant 1 : i32
    scf.for %while3A_22 = %while3A_18 to %while3A_14 step %while3A_20  : i32 {
      %mul3A_23 = arith.constant 24 : i32
      %mul3A_24 = arith.muli %while3A_22, %mul3A_23 : i32
      %add3A_25 = arith.addi %select_n3A, %mul3A_24 : i32
      %multiple_of3A_26 = tpu.assume_multiple %add3A_25, 8 : i32
      "tpu.region"() ({
        %run_scoped3A = tpu.sem_alloc : memref<!tpu.dma_semaphore, #tpu.memory_space<semaphore_mem>>
        %dma_start3A_52 = arith.constant 0 : i32
        %dma_start3A_53 = tpu.memref_slice %arg3[%multiple_of3A_26, %dma_start3A_52] : memref<3072x112xi32, #tpu.memory_space<hbm>> -> memref<24x112xi32, #tpu.memory_space<hbm>>
        %dma_start3A_54 = arith.constant 0 : i32
        %dma_start3A_55 = tpu.memref_slice %arg3[%multiple_of3A_26, %dma_start3A_54] : memref<3072x112xi32, #tpu.memory_space<hbm>> -> memref<24x112xi32, #tpu.memory_space<hbm>>
        tpu.enqueue_dma source(%dma_start3A_55 : memref<24x112xi32, #tpu.memory_space<hbm>>) target(%arg7 : memref<24x112xi32, #tpu.memory_space<vmem>>) target_semaphore(%run_scoped3A : memref<!tpu.dma_semaphore, #tpu.memory_space<semaphore_mem>>)
        %dma_wait3A = arith.constant 0 : i32
        %dma_wait3A_56 = tpu.memref_slice %arg3[%multiple_of3A_26, %dma_wait3A] : memref<3072x112xi32, #tpu.memory_space<hbm>> -> memref<24x112xi32, #tpu.memory_space<hbm>>
        %dma_wait3A_57 = arith.constant 0 : i32
        %dma_wait3A_58 = tpu.memref_slice %arg3[%multiple_of3A_26, %dma_wait3A_57] : memref<3072x112xi32, #tpu.memory_space<hbm>> -> memref<24x112xi32, #tpu.memory_space<hbm>>
        tpu.wait_dma2 semaphore(%run_scoped3A : memref<!tpu.dma_semaphore, #tpu.memory_space<semaphore_mem>>) src(%dma_wait3A_58 : memref<24x112xi32, #tpu.memory_space<hbm>>) dst(%arg7 : memref<24x112xi32, #tpu.memory_space<vmem>>)
        tpu.yield
      }) : () -> ()
      "tpu.region"() ({
        %run_scoped3A = tpu.sem_alloc : memref<!tpu.dma_semaphore, #tpu.memory_space<semaphore_mem>>
        %dma_start3A_52 = arith.constant 0 : i32
        %dma_start3A_53 = tpu.memref_slice %arg4[%multiple_of3A_26, %dma_start3A_52] : memref<3072x112xi32, #tpu.memory_space<hbm>> -> memref<24x112xi32, #tpu.memory_space<hbm>>
        %dma_start3A_54 = arith.constant 0 : i32
        %dma_start3A_55 = tpu.memref_slice %arg4[%multiple_of3A_26, %dma_start3A_54] : memref<3072x112xi32, #tpu.memory_space<hbm>> -> memref<24x112xi32, #tpu.memory_space<hbm>>
        tpu.enqueue_dma source(%dma_start3A_55 : memref<24x112xi32, #tpu.memory_space<hbm>>) target(%arg8 : memref<24x112xi32, #tpu.memory_space<vmem>>) target_semaphore(%run_scoped3A : memref<!tpu.dma_semaphore, #tpu.memory_space<semaphore_mem>>)
        %dma_wait3A = arith.constant 0 : i32
        %dma_wait3A_56 = tpu.memref_slice %arg4[%multiple_of3A_26, %dma_wait3A] : memref<3072x112xi32, #tpu.memory_space<hbm>> -> memref<24x112xi32, #tpu.memory_space<hbm>>
        %dma_wait3A_57 = arith.constant 0 : i32
        %dma_wait3A_58 = tpu.memref_slice %arg4[%multiple_of3A_26, %dma_wait3A_57] : memref<3072x112xi32, #tpu.memory_space<hbm>> -> memref<24x112xi32, #tpu.memory_space<hbm>>
        tpu.wait_dma2 semaphore(%run_scoped3A : memref<!tpu.dma_semaphore, #tpu.memory_space<semaphore_mem>>) src(%dma_wait3A_58 : memref<24x112xi32, #tpu.memory_space<hbm>>) dst(%arg8 : memref<24x112xi32, #tpu.memory_space<vmem>>)
        tpu.yield
      }) : () -> ()
      %dma_start3A = arith.constant 0 : i32
      %dma_start3A_27 = arith.constant 0 : i32
      %dma_start3A_28 = tpu.memref_slice %arg7[%dma_start3A, %dma_start3A_27] : memref<24x112xi32, #tpu.memory_space<vmem>> -> memref<1x112xi32, #tpu.memory_space<vmem>>
      %dma_start3A_29 = tpu.memref_squeeze %dma_start3A_28 : memref<1x112xi32, #tpu.memory_space<vmem>> -> memref<112xi32, #tpu.memory_space<vmem>>
      %dma_start3A_30 = arith.constant 0 : i32
      %dma_start3A_31 = arith.constant 0 : i32
      %dma_start3A_32 = tpu.memref_slice %arg2[%dma_start3A_30, %dma_start3A_31] : memref<10112x128xf32, #tpu.memory_space<hbm>> -> memref<10112x128xf32, #tpu.memory_space<hbm>>
      tpu.enqueue_indirect_dma source(%dma_start3A_32 : memref<10112x128xf32, #tpu.memory_space<hbm>>) target(%arg9 : memref<112x128xf32, #tpu.memory_space<vmem>>) offsets(%dma_start3A_29 : memref<112xi32, #tpu.memory_space<vmem>>) semaphore(%arg12 : memref<!tpu.dma_semaphore, #tpu.memory_space<semaphore_mem>>)
      %dma_start3A_33 = arith.constant 1 : i32
      %dma_start3A_34 = arith.constant 0 : i32
      %dma_start3A_35 = tpu.memref_slice %arg7[%dma_start3A_33, %dma_start3A_34] : memref<24x112xi32, #tpu.memory_space<vmem>> -> memref<1x112xi32, #tpu.memory_space<vmem>>
      %dma_start3A_36 = tpu.memref_squeeze %dma_start3A_35 : memref<1x112xi32, #tpu.memory_space<vmem>> -> memref<112xi32, #tpu.memory_space<vmem>>
      %dma_start3A_37 = arith.constant 0 : i32
      %dma_start3A_38 = arith.constant 0 : i32
      %dma_start3A_39 = tpu.memref_slice %arg2[%dma_start3A_37, %dma_start3A_38] : memref<10112x128xf32, #tpu.memory_space<hbm>> -> memref<10112x128xf32, #tpu.memory_space<hbm>>
      tpu.enqueue_indirect_dma source(%dma_start3A_39 : memref<10112x128xf32, #tpu.memory_space<hbm>>) target(%arg10 : memref<112x128xf32, #tpu.memory_space<vmem>>) offsets(%dma_start3A_36 : memref<112xi32, #tpu.memory_space<vmem>>) semaphore(%arg13 : memref<!tpu.dma_semaphore, #tpu.memory_space<semaphore_mem>>)
      %dma_start3A_40 = arith.constant 2 : i32
      %dma_start3A_41 = arith.constant 0 : i32
      %dma_start3A_42 = tpu.memref_slice %arg7[%dma_start3A_40, %dma_start3A_41] : memref<24x112xi32, #tpu.memory_space<vmem>> -> memref<1x112xi32, #tpu.memory_space<vmem>>
      %dma_start3A_43 = tpu.memref_squeeze %dma_start3A_42 : memref<1x112xi32, #tpu.memory_space<vmem>> -> memref<112xi32, #tpu.memory_space<vmem>>
      %dma_start3A_44 = arith.constant 0 : i32
      %dma_start3A_45 = arith.constant 0 : i32
      %dma_start3A_46 = tpu.memref_slice %arg2[%dma_start3A_44, %dma_start3A_45] : memref<10112x128xf32, #tpu.memory_space<hbm>> -> memref<10112x128xf32, #tpu.memory_space<hbm>>
      tpu.enqueue_indirect_dma source(%dma_start3A_46 : memref<10112x128xf32, #tpu.memory_space<hbm>>) target(%arg11 : memref<112x128xf32, #tpu.memory_space<vmem>>) offsets(%dma_start3A_43 : memref<112xi32, #tpu.memory_space<vmem>>) semaphore(%arg14 : memref<!tpu.dma_semaphore, #tpu.memory_space<semaphore_mem>>)
      %scan3A = arith.constant 0 : i32
      %scan3A_47 = arith.constant 0 : i32
      %scan3A_48 = arith.constant 8 : i32
      %scan3A_49 = arith.addi %scan3A_47, %scan3A_48 : i32
      %scan3A_50 = arith.constant 1 : i32
      scf.for %scan3A_52 = %scan3A_47 to %scan3A_49 step %scan3A_50  : i32 {
        %mul3A_53 = arith.constant 3 : i32
        %mul3A_54 = arith.muli %scan3A_52, %mul3A_53 : i32
        %add3A_55 = arith.constant 0 : i32
        %add3A_56 = arith.addi %mul3A_54, %add3A_55 : i32
        %dma_wait3A = arith.constant 0 : i32
        %dma_wait3A_57 = tpu.memref_slice %arg7[%add3A_56, %dma_wait3A] : memref<24x112xi32, #tpu.memory_space<vmem>> -> memref<1x112xi32, #tpu.memory_space<vmem>>
        %dma_wait3A_58 = tpu.memref_squeeze %dma_wait3A_57 : memref<1x112xi32, #tpu.memory_space<vmem>> -> memref<112xi32, #tpu.memory_space<vmem>>
        %dma_wait3A_59 = arith.constant 0 : i32
        %dma_wait3A_60 = arith.constant 0 : i32
        %dma_wait3A_61 = tpu.memref_slice %arg2[%dma_wait3A_59, %dma_wait3A_60] : memref<10112x128xf32, #tpu.memory_space<hbm>> -> memref<10112x128xf32, #tpu.memory_space<hbm>>
        tpu.wait_indirect_dma semaphore(%arg12 : memref<!tpu.dma_semaphore, #tpu.memory_space<semaphore_mem>>) src(%dma_wait3A_61 : memref<10112x128xf32, #tpu.memory_space<hbm>>) dst(%arg9 : memref<112x128xf32, #tpu.memory_space<vmem>>)
        "tpu.region"() ({
          %run_scoped3A = tpu.sem_alloc : memref<!tpu.dma_semaphore, #tpu.memory_space<semaphore_mem>>
          %dma_start3A_100 = arith.constant 0 : i32
          %dma_start3A_101 = tpu.memref_slice %arg8[%add3A_56, %dma_start3A_100] : memref<24x112xi32, #tpu.memory_space<vmem>> -> memref<1x112xi32, #tpu.memory_space<vmem>>
          %dma_start3A_102 = tpu.memref_squeeze %dma_start3A_101 : memref<1x112xi32, #tpu.memory_space<vmem>> -> memref<112xi32, #tpu.memory_space<vmem>>
          %dma_start3A_103 = arith.constant 0 : i32
          %dma_start3A_104 = arith.constant 0 : i32
          %dma_start3A_105 = tpu.memref_slice %arg15[%dma_start3A_103, %dma_start3A_104] : memref<10112x128xf32, #tpu.memory_space<vmem_shared>> -> memref<10112x128xf32, #tpu.memory_space<vmem_shared>>
          tpu.enqueue_indirect_dma source(%arg9 : memref<112x128xf32, #tpu.memory_space<vmem>>) target(%dma_start3A_105 : memref<10112x128xf32, #tpu.memory_space<vmem_shared>>) offsets(%dma_start3A_102 : memref<112xi32, #tpu.memory_space<vmem>>) semaphore(%run_scoped3A : memref<!tpu.dma_semaphore, #tpu.memory_space<semaphore_mem>>) {add = true}
          %dma_wait3A_106 = arith.constant 0 : i32
          %dma_wait3A_107 = tpu.memref_slice %arg8[%add3A_56, %dma_wait3A_106] : memref<24x112xi32, #tpu.memory_space<vmem>> -> memref<1x112xi32, #tpu.memory_space<vmem>>
          %dma_wait3A_108 = tpu.memref_squeeze %dma_wait3A_107 : memref<1x112xi32, #tpu.memory_space<vmem>> -> memref<112xi32, #tpu.memory_space<vmem>>
          %dma_wait3A_109 = arith.constant 0 : i32
          %dma_wait3A_110 = arith.constant 0 : i32
          %dma_wait3A_111 = tpu.memref_slice %arg15[%dma_wait3A_109, %dma_wait3A_110] : memref<10112x128xf32, #tpu.memory_space<vmem_shared>> -> memref<10112x128xf32, #tpu.memory_space<vmem_shared>>
          tpu.wait_indirect_dma semaphore(%run_scoped3A : memref<!tpu.dma_semaphore, #tpu.memory_space<semaphore_mem>>) src(%arg9 : memref<112x128xf32, #tpu.memory_space<vmem>>) dst(%dma_wait3A_111 : memref<10112x128xf32, #tpu.memory_space<vmem_shared>>)
          tpu.yield
        }) : () -> ()
        %add3A_62 = arith.constant 3 : i32
        %add3A_63 = arith.addi %add3A_56, %add3A_62 : i32
        %lt3A = arith.constant 24 : i32
        %lt3A_64 = arith.cmpi slt, %add3A_63, %lt3A : i32
        %convert_element_type3A = arith.extui %lt3A_64 : i1 to i32
        %cond3A = arith.constant 0 : i32
        %cond3A_65 = arith.cmpi ne, %convert_element_type3A, %cond3A : i32
        scf.if %cond3A_65 {
          %dma_start3A_100 = arith.constant 0 : i32
          %dma_start3A_101 = tpu.memref_slice %arg7[%add3A_63, %dma_start3A_100] : memref<24x112xi32, #tpu.memory_space<vmem>> -> memref<1x112xi32, #tpu.memory_space<vmem>>
          %dma_start3A_102 = tpu.memref_squeeze %dma_start3A_101 : memref<1x112xi32, #tpu.memory_space<vmem>> -> memref<112xi32, #tpu.memory_space<vmem>>
          %dma_start3A_103 = arith.constant 0 : i32
          %dma_start3A_104 = arith.constant 0 : i32
          %dma_start3A_105 = tpu.memref_slice %arg2[%dma_start3A_103, %dma_start3A_104] : memref<10112x128xf32, #tpu.memory_space<hbm>> -> memref<10112x128xf32, #tpu.memory_space<hbm>>
          tpu.enqueue_indirect_dma source(%dma_start3A_105 : memref<10112x128xf32, #tpu.memory_space<hbm>>) target(%arg9 : memref<112x128xf32, #tpu.memory_space<vmem>>) offsets(%dma_start3A_102 : memref<112xi32, #tpu.memory_space<vmem>>) semaphore(%arg12 : memref<!tpu.dma_semaphore, #tpu.memory_space<semaphore_mem>>)
        } else {
        }
        %mul3A_66 = arith.constant 3 : i32
        %mul3A_67 = arith.muli %scan3A_52, %mul3A_66 : i32
        %add3A_68 = arith.constant 1 : i32
        %add3A_69 = arith.addi %mul3A_67, %add3A_68 : i32
        %dma_wait3A_70 = arith.constant 0 : i32
        %dma_wait3A_71 = tpu.memref_slice %arg7[%add3A_69, %dma_wait3A_70] : memref<24x112xi32, #tpu.memory_space<vmem>> -> memref<1x112xi32, #tpu.memory_space<vmem>>
        %dma_wait3A_72 = tpu.memref_squeeze %dma_wait3A_71 : memref<1x112xi32, #tpu.memory_space<vmem>> -> memref<112xi32, #tpu.memory_space<vmem>>
        %dma_wait3A_73 = arith.constant 0 : i32
        %dma_wait3A_74 = arith.constant 0 : i32
        %dma_wait3A_75 = tpu.memref_slice %arg2[%dma_wait3A_73, %dma_wait3A_74] : memref<10112x128xf32, #tpu.memory_space<hbm>> -> memref<10112x128xf32, #tpu.memory_space<hbm>>
        tpu.wait_indirect_dma semaphore(%arg13 : memref<!tpu.dma_semaphore, #tpu.memory_space<semaphore_mem>>) src(%dma_wait3A_75 : memref<10112x128xf32, #tpu.memory_space<hbm>>) dst(%arg10 : memref<112x128xf32, #tpu.memory_space<vmem>>)
        "tpu.region"() ({
          %run_scoped3A = tpu.sem_alloc : memref<!tpu.dma_semaphore, #tpu.memory_space<semaphore_mem>>
          %dma_start3A_100 = arith.constant 0 : i32
          %dma_start3A_101 = tpu.memref_slice %arg8[%add3A_69, %dma_start3A_100] : memref<24x112xi32, #tpu.memory_space<vmem>> -> memref<1x112xi32, #tpu.memory_space<vmem>>
          %dma_start3A_102 = tpu.memref_squeeze %dma_start3A_101 : memref<1x112xi32, #tpu.memory_space<vmem>> -> memref<112xi32, #tpu.memory_space<vmem>>
          %dma_start3A_103 = arith.constant 0 : i32
          %dma_start3A_104 = arith.constant 0 : i32
          %dma_start3A_105 = tpu.memref_slice %arg15[%dma_start3A_103, %dma_start3A_104] : memref<10112x128xf32, #tpu.memory_space<vmem_shared>> -> memref<10112x128xf32, #tpu.memory_space<vmem_shared>>
          tpu.enqueue_indirect_dma source(%arg10 : memref<112x128xf32, #tpu.memory_space<vmem>>) target(%dma_start3A_105 : memref<10112x128xf32, #tpu.memory_space<vmem_shared>>) offsets(%dma_start3A_102 : memref<112xi32, #tpu.memory_space<vmem>>) semaphore(%run_scoped3A : memref<!tpu.dma_semaphore, #tpu.memory_space<semaphore_mem>>) {add = true}
          %dma_wait3A_106 = arith.constant 0 : i32
          %dma_wait3A_107 = tpu.memref_slice %arg8[%add3A_69, %dma_wait3A_106] : memref<24x112xi32, #tpu.memory_space<vmem>> -> memref<1x112xi32, #tpu.memory_space<vmem>>
          %dma_wait3A_108 = tpu.memref_squeeze %dma_wait3A_107 : memref<1x112xi32, #tpu.memory_space<vmem>> -> memref<112xi32, #tpu.memory_space<vmem>>
          %dma_wait3A_109 = arith.constant 0 : i32
          %dma_wait3A_110 = arith.constant 0 : i32
          %dma_wait3A_111 = tpu.memref_slice %arg15[%dma_wait3A_109, %dma_wait3A_110] : memref<10112x128xf32, #tpu.memory_space<vmem_shared>> -> memref<10112x128xf32, #tpu.memory_space<vmem_shared>>
          tpu.wait_indirect_dma semaphore(%run_scoped3A : memref<!tpu.dma_semaphore, #tpu.memory_space<semaphore_mem>>) src(%arg10 : memref<112x128xf32, #tpu.memory_space<vmem>>) dst(%dma_wait3A_111 : memref<10112x128xf32, #tpu.memory_space<vmem_shared>>)
          tpu.yield
        }) : () -> ()
        %add3A_76 = arith.constant 3 : i32
        %add3A_77 = arith.addi %add3A_69, %add3A_76 : i32
        %lt3A_78 = arith.constant 24 : i32
        %lt3A_79 = arith.cmpi slt, %add3A_77, %lt3A_78 : i32
        %convert_element_type3A_80 = arith.extui %lt3A_79 : i1 to i32
        %cond3A_81 = arith.constant 0 : i32
        %cond3A_82 = arith.cmpi ne, %convert_element_type3A_80, %cond3A_81 : i32
        scf.if %cond3A_82 {
          %dma_start3A_100 = arith.constant 0 : i32
          %dma_start3A_101 = tpu.memref_slice %arg7[%add3A_77, %dma_start3A_100] : memref<24x112xi32, #tpu.memory_space<vmem>> -> memref<1x112xi32, #tpu.memory_space<vmem>>
          %dma_start3A_102 = tpu.memref_squeeze %dma_start3A_101 : memref<1x112xi32, #tpu.memory_space<vmem>> -> memref<112xi32, #tpu.memory_space<vmem>>
          %dma_start3A_103 = arith.constant 0 : i32
          %dma_start3A_104 = arith.constant 0 : i32
          %dma_start3A_105 = tpu.memref_slice %arg2[%dma_start3A_103, %dma_start3A_104] : memref<10112x128xf32, #tpu.memory_space<hbm>> -> memref<10112x128xf32, #tpu.memory_space<hbm>>
          tpu.enqueue_indirect_dma source(%dma_start3A_105 : memref<10112x128xf32, #tpu.memory_space<hbm>>) target(%arg10 : memref<112x128xf32, #tpu.memory_space<vmem>>) offsets(%dma_start3A_102 : memref<112xi32, #tpu.memory_space<vmem>>) semaphore(%arg13 : memref<!tpu.dma_semaphore, #tpu.memory_space<semaphore_mem>>)
        } else {
        }
        %mul3A_83 = arith.constant 3 : i32
        %mul3A_84 = arith.muli %scan3A_52, %mul3A_83 : i32
        %add3A_85 = arith.constant 2 : i32
        %add3A_86 = arith.addi %mul3A_84, %add3A_85 : i32
        %dma_wait3A_87 = arith.constant 0 : i32
        %dma_wait3A_88 = tpu.memref_slice %arg7[%add3A_86, %dma_wait3A_87] : memref<24x112xi32, #tpu.memory_space<vmem>> -> memref<1x112xi32, #tpu.memory_space<vmem>>
        %dma_wait3A_89 = tpu.memref_squeeze %dma_wait3A_88 : memref<1x112xi32, #tpu.memory_space<vmem>> -> memref<112xi32, #tpu.memory_space<vmem>>
        %dma_wait3A_90 = arith.constant 0 : i32
        %dma_wait3A_91 = arith.constant 0 : i32
        %dma_wait3A_92 = tpu.memref_slice %arg2[%dma_wait3A_90, %dma_wait3A_91] : memref<10112x128xf32, #tpu.memory_space<hbm>> -> memref<10112x128xf32, #tpu.memory_space<hbm>>
        tpu.wait_indirect_dma semaphore(%arg14 : memref<!tpu.dma_semaphore, #tpu.memory_space<semaphore_mem>>) src(%dma_wait3A_92 : memref<10112x128xf32, #tpu.memory_space<hbm>>) dst(%arg11 : memref<112x128xf32, #tpu.memory_space<vmem>>)
        "tpu.region"() ({
          %run_scoped3A = tpu.sem_alloc : memref<!tpu.dma_semaphore, #tpu.memory_space<semaphore_mem>>
          %dma_start3A_100 = arith.constant 0 : i32
          %dma_start3A_101 = tpu.memref_slice %arg8[%add3A_86, %dma_start3A_100] : memref<24x112xi32, #tpu.memory_space<vmem>> -> memref<1x112xi32, #tpu.memory_space<vmem>>
          %dma_start3A_102 = tpu.memref_squeeze %dma_start3A_101 : memref<1x112xi32, #tpu.memory_space<vmem>> -> memref<112xi32, #tpu.memory_space<vmem>>
          %dma_start3A_103 = arith.constant 0 : i32
          %dma_start3A_104 = arith.constant 0 : i32
          %dma_start3A_105 = tpu.memref_slice %arg15[%dma_start3A_103, %dma_start3A_104] : memref<10112x128xf32, #tpu.memory_space<vmem_shared>> -> memref<10112x128xf32, #tpu.memory_space<vmem_shared>>
          tpu.enqueue_indirect_dma source(%arg11 : memref<112x128xf32, #tpu.memory_space<vmem>>) target(%dma_start3A_105 : memref<10112x128xf32, #tpu.memory_space<vmem_shared>>) offsets(%dma_start3A_102 : memref<112xi32, #tpu.memory_space<vmem>>) semaphore(%run_scoped3A : memref<!tpu.dma_semaphore, #tpu.memory_space<semaphore_mem>>) {add = true}
          %dma_wait3A_106 = arith.constant 0 : i32
          %dma_wait3A_107 = tpu.memref_slice %arg8[%add3A_86, %dma_wait3A_106] : memref<24x112xi32, #tpu.memory_space<vmem>> -> memref<1x112xi32, #tpu.memory_space<vmem>>
          %dma_wait3A_108 = tpu.memref_squeeze %dma_wait3A_107 : memref<1x112xi32, #tpu.memory_space<vmem>> -> memref<112xi32, #tpu.memory_space<vmem>>
          %dma_wait3A_109 = arith.constant 0 : i32
          %dma_wait3A_110 = arith.constant 0 : i32
          %dma_wait3A_111 = tpu.memref_slice %arg15[%dma_wait3A_109, %dma_wait3A_110] : memref<10112x128xf32, #tpu.memory_space<vmem_shared>> -> memref<10112x128xf32, #tpu.memory_space<vmem_shared>>
          tpu.wait_indirect_dma semaphore(%run_scoped3A : memref<!tpu.dma_semaphore, #tpu.memory_space<semaphore_mem>>) src(%arg11 : memref<112x128xf32, #tpu.memory_space<vmem>>) dst(%dma_wait3A_111 : memref<10112x128xf32, #tpu.memory_space<vmem_shared>>)
          tpu.yield
        }) : () -> ()
        %add3A_93 = arith.constant 3 : i32
        %add3A_94 = arith.addi %add3A_86, %add3A_93 : i32
        %lt3A_95 = arith.constant 24 : i32
        %lt3A_96 = arith.cmpi slt, %add3A_94, %lt3A_95 : i32
        %convert_element_type3A_97 = arith.extui %lt3A_96 : i1 to i32
        %cond3A_98 = arith.constant 0 : i32
        %cond3A_99 = arith.cmpi ne, %convert_element_type3A_97, %cond3A_98 : i32
        scf.if %cond3A_99 {
          %dma_start3A_100 = arith.constant 0 : i32
          %dma_start3A_101 = tpu.memref_slice %arg7[%add3A_94, %dma_start3A_100] : memref<24x112xi32, #tpu.memory_space<vmem>> -> memref<1x112xi32, #tpu.memory_space<vmem>>
          %dma_start3A_102 = tpu.memref_squeeze %dma_start3A_101 : memref<1x112xi32, #tpu.memory_space<vmem>> -> memref<112xi32, #tpu.memory_space<vmem>>
          %dma_start3A_103 = arith.constant 0 : i32
          %dma_start3A_104 = arith.constant 0 : i32
          %dma_start3A_105 = tpu.memref_slice %arg2[%dma_start3A_103, %dma_start3A_104] : memref<10112x128xf32, #tpu.memory_space<hbm>> -> memref<10112x128xf32, #tpu.memory_space<hbm>>
          tpu.enqueue_indirect_dma source(%dma_start3A_105 : memref<10112x128xf32, #tpu.memory_space<hbm>>) target(%arg11 : memref<112x128xf32, #tpu.memory_space<vmem>>) offsets(%dma_start3A_102 : memref<112xi32, #tpu.memory_space<vmem>>) semaphore(%arg14 : memref<!tpu.dma_semaphore, #tpu.memory_space<semaphore_mem>>)
        } else {
        }
      }
      %scan3A_51 = arith.constant 8 : i32
    }
    %barrier3A_21 = arith.constant 0 : index
    tpu.barrier barrier_id(%barrier3A_21)
    "tpu.region"() ({
      %run_scoped3A = tpu.sem_alloc : memref<!tpu.dma_semaphore, #tpu.memory_space<semaphore_mem>>
      %dma_start3A = arith.constant 0 : i32
      %dma_start3A_22 = tpu.memref_slice %arg6[%arg0, %multiple_of3A, %dma_start3A] : memref<2x10112x128xf32, #tpu.memory_space<hbm>> -> memref<1x632x128xf32, #tpu.memory_space<hbm>>
      %dma_start3A_23 = tpu.memref_squeeze %dma_start3A_22 : memref<1x632x128xf32, #tpu.memory_space<hbm>> -> memref<632x128xf32, #tpu.memory_space<hbm>>
      %dma_start3A_24 = arith.constant 0 : i32
      %dma_start3A_25 = tpu.memref_slice %arg15[%multiple_of3A, %dma_start3A_24] : memref<10112x128xf32, #tpu.memory_space<vmem_shared>> -> memref<632x128xf32, #tpu.memory_space<vmem_shared>>
      tpu.enqueue_dma source(%dma_start3A_25 : memref<632x128xf32, #tpu.memory_space<vmem_shared>>) target(%dma_start3A_23 : memref<632x128xf32, #tpu.memory_space<hbm>>) target_semaphore(%run_scoped3A : memref<!tpu.dma_semaphore, #tpu.memory_space<semaphore_mem>>)
      %dma_wait3A = arith.constant 0 : i32
      %dma_wait3A_26 = tpu.memref_slice %arg6[%arg0, %multiple_of3A, %dma_wait3A] : memref<2x10112x128xf32, #tpu.memory_space<hbm>> -> memref<1x632x128xf32, #tpu.memory_space<hbm>>
      %dma_wait3A_27 = tpu.memref_squeeze %dma_wait3A_26 : memref<1x632x128xf32, #tpu.memory_space<hbm>> -> memref<632x128xf32, #tpu.memory_space<hbm>>
      %dma_wait3A_28 = arith.constant 0 : i32
      %dma_wait3A_29 = tpu.memref_slice %arg15[%multiple_of3A, %dma_wait3A_28] : memref<10112x128xf32, #tpu.memory_space<vmem_shared>> -> memref<632x128xf32, #tpu.memory_space<vmem_shared>>
      tpu.wait_dma2 semaphore(%run_scoped3A : memref<!tpu.dma_semaphore, #tpu.memory_space<semaphore_mem>>) src(%dma_wait3A_29 : memref<632x128xf32, #tpu.memory_space<vmem_shared>>) dst(%dma_wait3A_27 : memref<632x128xf32, #tpu.memory_space<hbm>>)
      tpu.yield
    }) : () -> ()
    return
  }
}

module attributes {stable_mosaic.version = 14 : i64} {
  func.func @_mm_body(%arg0: i32, %arg1: memref<2528x128xf32, #tpu.memory_space<vmem>>, %arg2: memref<128x128xf32, #tpu.memory_space<vmem>>, %arg3: memref<2528x128xf32, #tpu.memory_space<vmem>>) attributes {dimension_semantics = [#tpu.dimension_semantics<arbitrary>], iteration_bounds = array<i64: 4>, scalar_prefetch = 0 : i64, scratch_operands = 0 : i64, tpu.core_type = #tpu.core_type<tc>, window_params = [{transform_indices = @transform_0, window_bounds = array<i64: 2528, 128>}, {pipeline_mode = #tpu.pipeline_mode<synchronous>, transform_indices = @transform_1, window_bounds = array<i64: 128, 128>}, {transform_indices = @transform_2, window_bounds = array<i64: 2528, 128>}]} {
    %get3A = arith.constant 0 : index
    %get3A_0 = arith.constant 0 : index
    %get3A_1 = vector.load %arg1[%get3A, %get3A_0] : memref<2528x128xf32, #tpu.memory_space<vmem>>, vector<2528x128xf32>
    %get3A_2 = arith.constant 0 : index
    %get3A_3 = arith.constant 0 : index
    %get3A_4 = vector.load %arg2[%get3A_2, %get3A_3] : memref<128x128xf32, #tpu.memory_space<vmem>>, vector<128x128xf32>
    %dot_general3A = arith.constant dense<0.000000e+00> : vector<2528x128xf32>
    %dot_general3A_5 = tpu.matmul %get3A_1, %get3A_4, %dot_general3A {dimension_numbers = #tpu.dot_dimension_numbers<[1], [0], [0], [1], [0, 0, 1, 1], [], []>, transpose_lhs_hint = false} : vector<2528x128xf32>, vector<128x128xf32>, vector<2528x128xf32> -> vector<2528x128xf32>
    %swap3A = arith.constant 0 : index
    %swap3A_6 = arith.constant 0 : index
    %swap3A_7 = vector.load %arg3[%swap3A, %swap3A_6] : memref<2528x128xf32, #tpu.memory_space<vmem>>, vector<2528x128xf32>
    tpu.vector_store %arg3[%swap3A, %swap3A_6], %dot_general3A_5 {strides = array<i32>} : memref<2528x128xf32, #tpu.memory_space<vmem>>, vector<2528x128xf32>,
    return
  }
  func.func @transform_0(%arg0: i32) -> (i32, i32) {
    %c0_i32 = arith.constant 0 : i32
    %c0_i32_0 = arith.constant 0 : i32
    return %arg0, %c0_i32 : i32, i32
  }
  func.func @transform_1(%arg0: i32) -> (i32, i32) {
    %c0_i32 = arith.constant 0 : i32
    %c0_i32_0 = arith.constant 0 : i32
    %c0_i32_1 = arith.constant 0 : i32
    return %c0_i32, %c0_i32_0 : i32, i32
  }
  func.func @transform_2(%arg0: i32) -> (i32, i32) {
    %c0_i32 = arith.constant 0 : i32
    %c0_i32_0 = arith.constant 0 : i32
    return %arg0, %c0_i32 : i32, i32
  }
}

module attributes {stable_mosaic.version = 14 : i64} {
  func.func @_h_body(%arg0: i32, %arg1: memref<2528x128xf32, #tpu.memory_space<vmem>>, %arg2: memref<2x2528x128xf32, #tpu.memory_space<vmem>>, %arg3: memref<2528x128xf32, #tpu.memory_space<vmem>>, %arg4: memref<2528x8xf32, #tpu.memory_space<vmem>>) attributes {dimension_semantics = [#tpu.dimension_semantics<arbitrary>], iteration_bounds = array<i64: 4>, scalar_prefetch = 0 : i64, scratch_operands = 0 : i64, tpu.core_type = #tpu.core_type<tc>, window_params = [{transform_indices = @transform_0, window_bounds = array<i64: 2528, 128>}, {transform_indices = @transform_1, window_bounds = array<i64: 2, 2528, 128>}, {transform_indices = @transform_2, window_bounds = array<i64: 2528, 128>}, {transform_indices = @transform_3, window_bounds = array<i64: 2528, 8>}]} {
    %get3A = arith.constant 0 : index
    %get3A_0 = arith.constant 0 : index
    %get3A_1 = arith.constant 0 : index
    %get3A_2 = vector.load %arg2[%get3A, %get3A_0, %get3A_1] : memref<2x2528x128xf32, #tpu.memory_space<vmem>>, vector<1x2528x1xf32>
    %get3A_3 = vector.shape_cast %get3A_2 : vector<1x2528x1xf32> to vector<2528xf32>
    %get3A_4 = arith.constant 1 : index
    %get3A_5 = arith.constant 0 : index
    %get3A_6 = arith.constant 0 : index
    %get3A_7 = vector.load %arg2[%get3A_4, %get3A_5, %get3A_6] : memref<2x2528x128xf32, #tpu.memory_space<vmem>>, vector<1x2528x1xf32>
    %get3A_8 = vector.shape_cast %get3A_7 : vector<1x2528x1xf32> to vector<2528xf32>
    %add3A = arith.addf %get3A_3, %get3A_8 : vector<2528xf32>
    %add3A_9 = arith.constant 1.000000e+00 : f32
    %add3A_10 = vector.broadcast %add3A_9 : f32 to vector<2528xf32>
    %add3A_11 = arith.addf %add3A, %add3A_10 : vector<2528xf32>
    %rsqrt3A = math.rsqrt %add3A_11 : vector<2528xf32>
    %mul3A = arith.constant 2528 : i32
    %mul3A_12 = arith.muli %arg0, %mul3A : i32
    %iota3A = tpu.iota {dimensions = array<i32: 0>} : vector<2528x1xi32>
    %add3A_13 = vector.broadcast %mul3A_12 : i32 to vector<2528x1xi32>
    %add3A_14 = arith.addi %add3A_13, %iota3A : vector<2528x1xi32>
    %lt3A = arith.constant 10000 : i32
    %lt3A_15 = vector.broadcast %lt3A : i32 to vector<2528x1xi32>
    %lt3A_16 = arith.cmpi slt, %add3A_14, %lt3A_15 : vector<2528x1xi32>
    %get3A_17 = arith.constant 0 : index
    %get3A_18 = arith.constant 0 : index
    %get3A_19 = vector.load %arg1[%get3A_17, %get3A_18] : memref<2528x128xf32, #tpu.memory_space<vmem>>, vector<2528x128xf32>
    %broadcast_in_dim3A = vector.shape_cast %rsqrt3A : vector<2528xf32> to vector<2528x1xf32>
    %mul3A_20 = vector.broadcast %broadcast_in_dim3A : vector<2528x1xf32> to vector<2528x128xf32>
    %mul3A_21 = arith.mulf %get3A_19, %mul3A_20 : vector<2528x128xf32>
    %jit3A = arith.constant 0.000000e+00 : f32
    %broadcast_in_dim3A_22 = vector.shape_cast %lt3A_16 : vector<2528x1xi1> to vector<2528x1xi1>
    %broadcast_in_dim3A_23 = vector.broadcast %broadcast_in_dim3A_22 : vector<2528x1xi1> to vector<2528x128xi1>
    %broadcast_in_dim3A_24 = vector.broadcast %jit3A : f32 to vector<2528x128xf32>
    %select_n3A = arith.select %broadcast_in_dim3A_23, %mul3A_21, %broadcast_in_dim3A_24 : vector<2528x128xi1>, vector<2528x128xf32>
    %swap3A = arith.constant 0 : index
    %swap3A_25 = arith.constant 0 : index
    %swap3A_26 = vector.load %arg3[%swap3A, %swap3A_25] : memref<2528x128xf32, #tpu.memory_space<vmem>>, vector<2528x128xf32>
    tpu.vector_store %arg3[%swap3A, %swap3A_25], %select_n3A {strides = array<i32>} : memref<2528x128xf32, #tpu.memory_space<vmem>>, vector<2528x128xf32>,
    %broadcast_in_dim3A_27 = vector.shape_cast %rsqrt3A : vector<2528xf32> to vector<2528x1xf32>
    %broadcast_in_dim3A_28 = vector.shape_cast %broadcast_in_dim3A_27 : vector<2528x1xf32> to vector<2528x1xf32>
    %broadcast_in_dim3A_29 = vector.broadcast %broadcast_in_dim3A_28 : vector<2528x1xf32> to vector<2528x8xf32>
    %swap3A_30 = arith.constant 0 : index
    %swap3A_31 = arith.constant 0 : index
    %swap3A_32 = vector.load %arg4[%swap3A_30, %swap3A_31] : memref<2528x8xf32, #tpu.memory_space<vmem>>, vector<2528x8xf32>
    tpu.vector_store %arg4[%swap3A_30, %swap3A_31], %broadcast_in_dim3A_29 {strides = array<i32>} : memref<2528x8xf32, #tpu.memory_space<vmem>>, vector<2528x8xf32>,
    return
  }
  func.func @transform_0(%arg0: i32) -> (i32, i32) {
    %c0_i32 = arith.constant 0 : i32
    %c0_i32_0 = arith.constant 0 : i32
    return %arg0, %c0_i32 : i32, i32
  }
  func.func @transform_1(%arg0: i32) -> (i32, i32, i32) {
    %c0_i32 = arith.constant 0 : i32
    %c0_i32_0 = arith.constant 0 : i32
    %c0_i32_1 = arith.constant 0 : i32
    return %c0_i32, %arg0, %c0_i32_0 : i32, i32, i32
  }
  func.func @transform_2(%arg0: i32) -> (i32, i32) {
    %c0_i32 = arith.constant 0 : i32
    %c0_i32_0 = arith.constant 0 : i32
    return %arg0, %c0_i32 : i32, i32
  }
  func.func @transform_3(%arg0: i32) -> (i32, i32) {
    %c0_i32 = arith.constant 0 : i32
    %c0_i32_0 = arith.constant 0 : i32
    return %arg0, %c0_i32 : i32, i32
  }
}

module attributes {stable_mosaic.version = 14 : i64} {
  func.func @_mlp_body(%arg0: i32, %arg1: memref<2x2528x128xf32, #tpu.memory_space<vmem>>, %arg2: memref<2528x128xf32, #tpu.memory_space<vmem>>, %arg3: memref<2528x8xf32, #tpu.memory_space<vmem>>, %arg4: memref<2528x128xf32, #tpu.memory_space<vmem>>, %arg5: memref<1x128xf32, #tpu.memory_space<vmem>>, %arg6: memref<128x256xf32, #tpu.memory_space<vmem>>, %arg7: memref<1x256xf32, #tpu.memory_space<vmem>>, %arg8: memref<256x256xf32, #tpu.memory_space<vmem>>, %arg9: memref<1x256xf32, #tpu.memory_space<vmem>>, %arg10: memref<256x128xf32, #tpu.memory_space<vmem>>, %arg11: memref<1x128xf32, #tpu.memory_space<vmem>>, %arg12: memref<1x128xf32, #tpu.memory_space<vmem>>, %arg13: memref<2528x128xf32, #tpu.memory_space<vmem>>, %arg14: memref<2528x8xf32, #tpu.memory_space<vmem>>, %arg15: memref<1x1xf32, #tpu.memory_space<smem>>) attributes {dimension_semantics = [#tpu.dimension_semantics<arbitrary>], iteration_bounds = array<i64: 4>, scalar_prefetch = 0 : i64, scratch_operands = 0 : i64, tpu.core_type = #tpu.core_type<tc>, window_params = [{transform_indices = @transform_0, window_bounds = array<i64: 2, 2528, 128>}, {transform_indices = @transform_1, window_bounds = array<i64: 2528, 128>}, {transform_indices = @transform_2, window_bounds = array<i64: 2528, 8>}, {transform_indices = @transform_3, window_bounds = array<i64: 2528, 128>}, {pipeline_mode = #tpu.pipeline_mode<synchronous>, transform_indices = @transform_4, window_bounds = array<i64: 1, 128>}, {pipeline_mode = #tpu.pipeline_mode<synchronous>, transform_indices = @transform_5, window_bounds = array<i64: 128, 256>}, {pipeline_mode = #tpu.pipeline_mode<synchronous>, transform_indices = @transform_6, window_bounds = array<i64: 1, 256>}, {pipeline_mode = #tpu.pipeline_mode<synchronous>, transform_indices = @transform_7, window_bounds = array<i64: 256, 256>}, {pipeline_mode = #tpu.pipeline_mode<synchronous>, transform_indices = @transform_8, window_bounds = array<i64: 1, 256>}, {pipeline_mode = #tpu.pipeline_mode<synchronous>, transform_indices = @transform_9, window_bounds = array<i64: 256, 128>}, {pipeline_mode = #tpu.pipeline_mode<synchronous>, transform_indices = @transform_10, window_bounds = array<i64: 1, 128>}, {pipeline_mode = #tpu.pipeline_mode<synchronous>, transform_indices = @transform_11, window_bounds = array<i64: 1, 128>}, {transform_indices = @transform_12, window_bounds = array<i64: 2528, 128>}, {transform_indices = @transform_13, window_bounds = array<i64: 2528, 8>}, {transform_indices = @transform_14, window_bounds = array<i64: 1, 1>}]} {
    %get3A = arith.constant 0 : index
    %get3A_0 = arith.constant 0 : index
    %get3A_1 = vector.load %arg3[%get3A, %get3A_0] : memref<2528x8xf32, #tpu.memory_space<vmem>>, vector<2528x1xf32>
    %get3A_2 = arith.constant 0 : index
    %get3A_3 = arith.constant 0 : index
    %get3A_4 = arith.constant 0 : index
    %get3A_5 = vector.load %arg1[%get3A_2, %get3A_3, %get3A_4] : memref<2x2528x128xf32, #tpu.memory_space<vmem>>, vector<1x2528x128xf32>
    %get3A_6 = vector.shape_cast %get3A_5 : vector<1x2528x128xf32> to vector<2528x128xf32>
    %get3A_7 = arith.constant 1 : index
    %get3A_8 = arith.constant 0 : index
    %get3A_9 = arith.constant 0 : index
    %get3A_10 = vector.load %arg1[%get3A_7, %get3A_8, %get3A_9] : memref<2x2528x128xf32, #tpu.memory_space<vmem>>, vector<1x2528x128xf32>
    %get3A_11 = vector.shape_cast %get3A_10 : vector<1x2528x128xf32> to vector<2528x128xf32>
    %add3A = arith.addf %get3A_6, %get3A_11 : vector<2528x128xf32>
    %get3A_12 = arith.constant 0 : index
    %get3A_13 = arith.constant 0 : index
    %get3A_14 = vector.load %arg2[%get3A_12, %get3A_13] : memref<2528x128xf32, #tpu.memory_space<vmem>>, vector<2528x128xf32>
    %add3A_15 = arith.addf %add3A, %get3A_14 : vector<2528x128xf32>
    %mul3A = vector.broadcast %get3A_1 : vector<2528x1xf32> to vector<2528x128xf32>
    %mul3A_16 = arith.mulf %add3A_15, %mul3A : vector<2528x128xf32>
    %get3A_17 = arith.constant 0 : index
    %get3A_18 = arith.constant 0 : index
    %get3A_19 = vector.load %arg5[%get3A_17, %get3A_18] : memref<1x128xf32, #tpu.memory_space<vmem>>, vector<1x128xf32>
    %add3A_20 = vector.broadcast %get3A_19 : vector<1x128xf32> to vector<2528x128xf32>
    %add3A_21 = arith.addf %mul3A_16, %add3A_20 : vector<2528x128xf32>
    %max3A = arith.constant 0.000000e+00 : f32
    %max3A_22 = vector.broadcast %max3A : f32 to vector<2528x128xf32>
    %max3A_23 = arith.maximumf %add3A_21, %max3A_22 : vector<2528x128xf32>
    %get3A_24 = arith.constant 0 : index
    %get3A_25 = arith.constant 0 : index
    %get3A_26 = vector.load %arg4[%get3A_24, %get3A_25] : memref<2528x128xf32, #tpu.memory_space<vmem>>, vector<2528x128xf32>
    %add3A_27 = arith.addf %max3A_23, %get3A_26 : vector<2528x128xf32>
    %get3A_28 = arith.constant 0 : index
    %get3A_29 = arith.constant 0 : index
    %get3A_30 = vector.load %arg6[%get3A_28, %get3A_29] : memref<128x256xf32, #tpu.memory_space<vmem>>, vector<128x256xf32>
    %dot_general3A = arith.constant dense<0.000000e+00> : vector<2528x256xf32>
    %dot_general3A_31 = tpu.matmul %add3A_27, %get3A_30, %dot_general3A {dimension_numbers = #tpu.dot_dimension_numbers<[1], [0], [0], [1], [0, 0, 1, 1], [], []>, transpose_lhs_hint = false} : vector<2528x128xf32>, vector<128x256xf32>, vector<2528x256xf32> -> vector<2528x256xf32>
    %get3A_32 = arith.constant 0 : index
    %get3A_33 = arith.constant 0 : index
    %get3A_34 = vector.load %arg7[%get3A_32, %get3A_33] : memref<1x256xf32, #tpu.memory_space<vmem>>, vector<1x256xf32>
    %add3A_35 = vector.broadcast %get3A_34 : vector<1x256xf32> to vector<2528x256xf32>
    %add3A_36 = arith.addf %dot_general3A_31, %add3A_35 : vector<2528x256xf32>
    %ge3A = arith.constant 0.000000e+00 : f32
    %ge3A_37 = vector.broadcast %ge3A : f32 to vector<2528x256xf32>
    %ge3A_38 = arith.cmpf oge, %add3A_36, %ge3A_37 : vector<2528x256xf32>
    %mul3A_39 = arith.constant 0.00999999977 : f32
    %mul3A_40 = vector.broadcast %mul3A_39 : f32 to vector<2528x256xf32>
    %mul3A_41 = arith.mulf %mul3A_40, %add3A_36 : vector<2528x256xf32>
    %select_n3A = arith.select %ge3A_38, %add3A_36, %mul3A_41 : vector<2528x256xi1>, vector<2528x256xf32>
    %get3A_42 = arith.constant 0 : index
    %get3A_43 = arith.constant 0 : index
    %get3A_44 = vector.load %arg8[%get3A_42, %get3A_43] : memref<256x256xf32, #tpu.memory_space<vmem>>, vector<256x256xf32>
    %dot_general3A_45 = arith.constant dense<0.000000e+00> : vector<2528x256xf32>
    %dot_general3A_46 = tpu.matmul %select_n3A, %get3A_44, %dot_general3A_45 {dimension_numbers = #tpu.dot_dimension_numbers<[1], [0], [0], [1], [0, 0, 1, 1], [], []>, transpose_lhs_hint = false} : vector<2528x256xf32>, vector<256x256xf32>, vector<2528x256xf32> -> vector<2528x256xf32>
    %get3A_47 = arith.constant 0 : index
    %get3A_48 = arith.constant 0 : index
    %get3A_49 = vector.load %arg9[%get3A_47, %get3A_48] : memref<1x256xf32, #tpu.memory_space<vmem>>, vector<1x256xf32>
    %add3A_50 = vector.broadcast %get3A_49 : vector<1x256xf32> to vector<2528x256xf32>
    %add3A_51 = arith.addf %dot_general3A_46, %add3A_50 : vector<2528x256xf32>
    %ge3A_52 = arith.constant 0.000000e+00 : f32
    %ge3A_53 = vector.broadcast %ge3A_52 : f32 to vector<2528x256xf32>
    %ge3A_54 = arith.cmpf oge, %add3A_51, %ge3A_53 : vector<2528x256xf32>
    %mul3A_55 = arith.constant 0.00999999977 : f32
    %mul3A_56 = vector.broadcast %mul3A_55 : f32 to vector<2528x256xf32>
    %mul3A_57 = arith.mulf %mul3A_56, %add3A_51 : vector<2528x256xf32>
    %select_n3A_58 = arith.select %ge3A_54, %add3A_51, %mul3A_57 : vector<2528x256xi1>, vector<2528x256xf32>
    %get3A_59 = arith.constant 0 : index
    %get3A_60 = arith.constant 0 : index
    %get3A_61 = vector.load %arg10[%get3A_59, %get3A_60] : memref<256x128xf32, #tpu.memory_space<vmem>>, vector<256x128xf32>
    %dot_general3A_62 = arith.constant dense<0.000000e+00> : vector<2528x128xf32>
    %dot_general3A_63 = tpu.matmul %select_n3A_58, %get3A_61, %dot_general3A_62 {dimension_numbers = #tpu.dot_dimension_numbers<[1], [0], [0], [1], [0, 0, 1, 1], [], []>, transpose_lhs_hint = false} : vector<2528x256xf32>, vector<256x128xf32>, vector<2528x128xf32> -> vector<2528x128xf32>
    %get3A_64 = arith.constant 0 : index
    %get3A_65 = arith.constant 0 : index
    %get3A_66 = vector.load %arg11[%get3A_64, %get3A_65] : memref<1x128xf32, #tpu.memory_space<vmem>>, vector<1x128xf32>
    %add3A_67 = vector.broadcast %get3A_66 : vector<1x128xf32> to vector<2528x128xf32>
    %add3A_68 = arith.addf %dot_general3A_63, %add3A_67 : vector<2528x128xf32>
    %max3A_69 = arith.constant 0.000000e+00 : f32
    %max3A_70 = vector.broadcast %max3A_69 : f32 to vector<2528x128xf32>
    %max3A_71 = arith.maximumf %add3A_68, %max3A_70 : vector<2528x128xf32>
    %abs3A = math.absf %add3A_68 : vector<2528x128xf32>
    %neg3A = arith.constant 0.000000e+00 : f32
    %neg3A_72 = vector.broadcast %neg3A : f32 to vector<2528x128xf32>
    %neg3A_73 = arith.subf %neg3A_72, %abs3A : vector<2528x128xf32>
    %exp3A = math.exp %neg3A_73 : vector<2528x128xf32>
    %log1p3A = math.log1p %exp3A : vector<2528x128xf32>
    %add3A_74 = arith.addf %max3A_71, %log1p3A : vector<2528x128xf32>
    %get3A_75 = arith.constant 0 : index
    %get3A_76 = arith.constant 0 : index
    %get3A_77 = vector.load %arg12[%get3A_75, %get3A_76] : memref<1x128xf32, #tpu.memory_space<vmem>>, vector<1x128xf32>
    %add3A_78 = vector.broadcast %get3A_77 : vector<1x128xf32> to vector<2528x128xf32>
    %add3A_79 = arith.addf %add3A_74, %add3A_78 : vector<2528x128xf32>
    %swap3A = arith.constant 0 : index
    %swap3A_80 = arith.constant 0 : index
    %swap3A_81 = vector.load %arg13[%swap3A, %swap3A_80] : memref<2528x128xf32, #tpu.memory_space<vmem>>, vector<2528x128xf32>
    tpu.vector_store %arg13[%swap3A, %swap3A_80], %add3A_79 {strides = array<i32>} : memref<2528x128xf32, #tpu.memory_space<vmem>>, vector<2528x128xf32>,
    %slice3A = vector.extract_strided_slice %add3A_79 {offsets = [0, 0], sizes = [2528, 8], strides = [1, 1]} : vector<2528x128xf32> to vector<2528x8xf32>
    %swap3A_82 = arith.constant 0 : index
    %swap3A_83 = arith.constant 0 : index
    %swap3A_84 = vector.load %arg14[%swap3A_82, %swap3A_83] : memref<2528x8xf32, #tpu.memory_space<vmem>>, vector<2528x8xf32>
    tpu.vector_store %arg14[%swap3A_82, %swap3A_83], %slice3A {strides = array<i32>} : memref<2528x8xf32, #tpu.memory_space<vmem>>, vector<2528x8xf32>,
    %mul3A_85 = arith.constant 2528 : i32
    %mul3A_86 = arith.muli %arg0, %mul3A_85 : i32
    %iota3A = tpu.iota {dimensions = array<i32: 0>} : vector<2528x1xi32>
    %add3A_87 = vector.broadcast %mul3A_86 : i32 to vector<2528x1xi32>
    %add3A_88 = arith.addi %add3A_87, %iota3A : vector<2528x1xi32>
    %squeeze3A = vector.shape_cast %add3A_88 : vector<2528x1xi32> to vector<2528xi32>
    %lt3A = arith.constant 10000 : i32
    %lt3A_89 = vector.broadcast %lt3A : i32 to vector<2528xi32>
    %lt3A_90 = arith.cmpi slt, %squeeze3A, %lt3A_89 : vector<2528xi32>
    %slice3A_91 = vector.extract_strided_slice %add3A_79 {offsets = [0, 2], sizes = [2528, 1], strides = [1, 1]} : vector<2528x128xf32> to vector<2528x1xf32>
    %squeeze3A_92 = vector.shape_cast %slice3A_91 : vector<2528x1xf32> to vector<2528xf32>
    %jit3A = arith.constant 0.000000e+00 : f32
    %broadcast_in_dim3A = vector.broadcast %jit3A : f32 to vector<2528xf32>
    %select_n3A_93 = arith.select %lt3A_90, %squeeze3A_92, %broadcast_in_dim3A : vector<2528xi1>, vector<2528xf32>
    %eq3A = arith.constant 0 : i32
    %eq3A_94 = arith.cmpi eq, %arg0, %eq3A : i32
    %convert_element_type3A = arith.extui %eq3A_94 : i1 to i32
    %cond3A = arith.constant 0 : i32
    %cond3A_95 = arith.cmpi ne, %convert_element_type3A, %cond3A : i32
    scf.if %cond3A_95 {
      %swap3A_107 = arith.constant 0.000000e+00 : f32
      %swap3A_108 = arith.constant 0 : index
      %swap3A_109 = arith.constant 0 : index
      %swap3A_110 = memref.load %arg15[%swap3A_108, %swap3A_109] : memref<1x1xf32, #tpu.memory_space<smem>>
      memref.store %swap3A_107, %arg15[%swap3A_108, %swap3A_109] : memref<1x1xf32, #tpu.memory_space<smem>>
    } else {
    }
    %get3A_96 = arith.constant 0 : index
    %get3A_97 = arith.constant 0 : index
    %get3A_98 = memref.load %arg15[%get3A_96, %get3A_97] : memref<1x1xf32, #tpu.memory_space<smem>>
    %reduce_sum3A = vector.shape_cast %select_n3A_93 : vector<2528xf32> to vector<1x2528xf32>
    %reduce_sum3A_99 = arith.constant dense<0.000000e+00> : vector<1xf32>
    %reduce_sum3A_100 = vector.multi_reduction <add>, %reduce_sum3A, %reduce_sum3A_99 [1] : vector<1x2528xf32> to vector<1xf32>
    %reduce_sum3A_101 = vector.shape_cast %reduce_sum3A_100 : vector<1xf32> to vector<1x1xf32>
    %reduce_sum3A_102 = vector.extract %reduce_sum3A_101[0, 0] : f32 from vector<1x1xf32>
    %add3A_103 = arith.addf %get3A_98, %reduce_sum3A_102 : f32
    %swap3A_104 = arith.constant 0 : index
    %swap3A_105 = arith.constant 0 : index
    %swap3A_106 = memref.load %arg15[%swap3A_104, %swap3A_105] : memref<1x1xf32, #tpu.memory_space<smem>>
    memref.store %add3A_103, %arg15[%swap3A_104, %swap3A_105] : memref<1x1xf32, #tpu.memory_space<smem>>
    return
  }
  func.func @transform_0(%arg0: i32) -> (i32, i32, i32) {
    %c0_i32 = arith.constant 0 : i32
    %c0_i32_0 = arith.constant 0 : i32
    %c0_i32_1 = arith.constant 0 : i32
    return %c0_i32, %arg0, %c0_i32_0 : i32, i32, i32
  }
  func.func @transform_1(%arg0: i32) -> (i32, i32) {
    %c0_i32 = arith.constant 0 : i32
    %c0_i32_0 = arith.constant 0 : i32
    return %arg0, %c0_i32 : i32, i32
  }
  func.func @transform_2(%arg0: i32) -> (i32, i32) {
    %c0_i32 = arith.constant 0 : i32
    %c0_i32_0 = arith.constant 0 : i32
    return %arg0, %c0_i32 : i32, i32
  }
  func.func @transform_3(%arg0: i32) -> (i32, i32) {
    %c0_i32 = arith.constant 0 : i32
    %c0_i32_0 = arith.constant 0 : i32
    return %arg0, %c0_i32 : i32, i32
  }
  func.func @transform_4(%arg0: i32) -> (i32, i32) {
    %c0_i32 = arith.constant 0 : i32
    %c0_i32_0 = arith.constant 0 : i32
    %c0_i32_1 = arith.constant 0 : i32
    return %c0_i32, %c0_i32_0 : i32, i32
  }
  func.func @transform_5(%arg0: i32) -> (i32, i32) {
    %c0_i32 = arith.constant 0 : i32
    %c0_i32_0 = arith.constant 0 : i32
    %c0_i32_1 = arith.constant 0 : i32
    return %c0_i32, %c0_i32_0 : i32, i32
  }
  func.func @transform_6(%arg0: i32) -> (i32, i32) {
    %c0_i32 = arith.constant 0 : i32
    %c0_i32_0 = arith.constant 0 : i32
    %c0_i32_1 = arith.constant 0 : i32
    return %c0_i32, %c0_i32_0 : i32, i32
  }
  func.func @transform_7(%arg0: i32) -> (i32, i32) {
    %c0_i32 = arith.constant 0 : i32
    %c0_i32_0 = arith.constant 0 : i32
    %c0_i32_1 = arith.constant 0 : i32
    return %c0_i32, %c0_i32_0 : i32, i32
  }
  func.func @transform_8(%arg0: i32) -> (i32, i32) {
    %c0_i32 = arith.constant 0 : i32
    %c0_i32_0 = arith.constant 0 : i32
    %c0_i32_1 = arith.constant 0 : i32
    return %c0_i32, %c0_i32_0 : i32, i32
  }
  func.func @transform_9(%arg0: i32) -> (i32, i32) {
    %c0_i32 = arith.constant 0 : i32
    %c0_i32_0 = arith.constant 0 : i32
    %c0_i32_1 = arith.constant 0 : i32
    return %c0_i32, %c0_i32_0 : i32, i32
  }
  func.func @transform_10(%arg0: i32) -> (i32, i32) {
    %c0_i32 = arith.constant 0 : i32
    %c0_i32_0 = arith.constant 0 : i32
    %c0_i32_1 = arith.constant 0 : i32
    return %c0_i32, %c0_i32_0 : i32, i32
  }
  func.func @transform_11(%arg0: i32) -> (i32, i32) {
    %c0_i32 = arith.constant 0 : i32
    %c0_i32_0 = arith.constant 0 : i32
    %c0_i32_1 = arith.constant 0 : i32
    return %c0_i32, %c0_i32_0 : i32, i32
  }
  func.func @transform_12(%arg0: i32) -> (i32, i32) {
    %c0_i32 = arith.constant 0 : i32
    %c0_i32_0 = arith.constant 0 : i32
    return %arg0, %c0_i32 : i32, i32
  }
  func.func @transform_13(%arg0: i32) -> (i32, i32) {
    %c0_i32 = arith.constant 0 : i32
    %c0_i32_0 = arith.constant 0 : i32
    return %arg0, %c0_i32 : i32, i32
  }
  func.func @transform_14(%arg0: i32) -> (i32, i32) {
    %c0_i32 = arith.constant 0 : i32
    %c0_i32_0 = arith.constant 0 : i32
    %c0_i32_1 = arith.constant 0 : i32
    return %c0_i32, %c0_i32_0 : i32, i32
  }
}

module attributes {stable_mosaic.version = 14 : i64} {
  func.func @_act_body(%arg0: i32, %arg1: memref<2528x8xf32, #tpu.memory_space<vmem>>, %arg2: memref<1x1xf32, #tpu.memory_space<smem>>, %arg3: memref<2528x8xf32, #tpu.memory_space<vmem>>) attributes {dimension_semantics = [#tpu.dimension_semantics<arbitrary>], iteration_bounds = array<i64: 4>, scalar_prefetch = 0 : i64, scratch_operands = 0 : i64, tpu.core_type = #tpu.core_type<tc>, window_params = [{transform_indices = @transform_0, window_bounds = array<i64: 2528, 8>}, {transform_indices = @transform_1, window_bounds = array<i64: 1, 1>}, {transform_indices = @transform_2, window_bounds = array<i64: 2528, 8>}]} {
    %get3A = arith.constant 0 : index
    %get3A_0 = arith.constant 0 : index
    %get3A_1 = vector.load %arg1[%get3A, %get3A_0] : memref<2528x8xf32, #tpu.memory_space<vmem>>, vector<2528x1xf32>
    %get3A_2 = vector.shape_cast %get3A_1 : vector<2528x1xf32> to vector<2528xf32>
    %get3A_3 = arith.constant 0 : index
    %get3A_4 = arith.constant 1 : index
    %get3A_5 = vector.load %arg1[%get3A_3, %get3A_4] : memref<2528x8xf32, #tpu.memory_space<vmem>>, vector<2528x1xf32>
    %get3A_6 = vector.shape_cast %get3A_5 : vector<2528x1xf32> to vector<2528xf32>
    %get3A_7 = arith.constant 0 : index
    %get3A_8 = arith.constant 2 : index
    %get3A_9 = vector.load %arg1[%get3A_7, %get3A_8] : memref<2528x8xf32, #tpu.memory_space<vmem>>, vector<2528x1xf32>
    %get3A_10 = vector.shape_cast %get3A_9 : vector<2528x1xf32> to vector<2528xf32>
    %add3A = arith.addf %get3A_2, %get3A_6 : vector<2528xf32>
    %div3A = arith.divf %get3A_2, %add3A : vector<2528xf32>
    %lt3A = arith.constant 0.000000e+00 : f32
    %lt3A_11 = vector.broadcast %lt3A : f32 to vector<2528xf32>
    %lt3A_12 = arith.cmpf olt, %div3A, %lt3A_11 : vector<2528xf32>
    %jit3A = arith.constant 0.000000e+00 : f32
    %broadcast_in_dim3A = vector.broadcast %jit3A : f32 to vector<2528xf32>
    %select_n3A = arith.select %lt3A_12, %broadcast_in_dim3A, %div3A : vector<2528xi1>, vector<2528xf32>
    %get3A_13 = arith.constant 0 : index
    %get3A_14 = arith.constant 0 : index
    %get3A_15 = memref.load %arg2[%get3A_13, %get3A_14] : memref<1x1xf32, #tpu.memory_space<smem>>
    %div3A_16 = vector.broadcast %get3A_15 : f32 to vector<2528xf32>
    %div3A_17 = arith.divf %get3A_10, %div3A_16 : vector<2528xf32>
    %iota3A = tpu.iota {dimensions = array<i32: 1>} : vector<2528x8xi32>
    %eq3A = arith.constant 0 : i32
    %eq3A_18 = vector.broadcast %eq3A : i32 to vector<2528x8xi32>
    %eq3A_19 = arith.cmpi eq, %iota3A, %eq3A_18 : vector<2528x8xi32>
    %broadcast_in_dim3A_20 = vector.shape_cast %select_n3A : vector<2528xf32> to vector<2528x1xf32>
    %eq3A_21 = arith.constant 1 : i32
    %eq3A_22 = vector.broadcast %eq3A_21 : i32 to vector<2528x8xi32>
    %eq3A_23 = arith.cmpi eq, %iota3A, %eq3A_22 : vector<2528x8xi32>
    %broadcast_in_dim3A_24 = vector.shape_cast %div3A_17 : vector<2528xf32> to vector<2528x1xf32>
    %jit3A_25 = arith.constant 0.000000e+00 : f32
    %broadcast_in_dim3A_26 = vector.shape_cast %broadcast_in_dim3A_24 : vector<2528x1xf32> to vector<2528x1xf32>
    %broadcast_in_dim3A_27 = vector.broadcast %broadcast_in_dim3A_26 : vector<2528x1xf32> to vector<2528x8xf32>
    %broadcast_in_dim3A_28 = vector.broadcast %jit3A_25 : f32 to vector<2528x8xf32>
    %select_n3A_29 = arith.select %eq3A_23, %broadcast_in_dim3A_27, %broadcast_in_dim3A_28 : vector<2528x8xi1>, vector<2528x8xf32>
    %broadcast_in_dim3A_30 = vector.shape_cast %broadcast_in_dim3A_20 : vector<2528x1xf32> to vector<2528x1xf32>
    %broadcast_in_dim3A_31 = vector.broadcast %broadcast_in_dim3A_30 : vector<2528x1xf32> to vector<2528x8xf32>
    %select_n3A_32 = arith.select %eq3A_19, %broadcast_in_dim3A_31, %select_n3A_29 : vector<2528x8xi1>, vector<2528x8xf32>
    %swap3A = arith.constant 0 : index
    %swap3A_33 = arith.constant 0 : index
    %swap3A_34 = vector.load %arg3[%swap3A, %swap3A_33] : memref<2528x8xf32, #tpu.memory_space<vmem>>, vector<2528x8xf32>
    tpu.vector_store %arg3[%swap3A, %swap3A_33], %select_n3A_32 {strides = array<i32>} : memref<2528x8xf32, #tpu.memory_space<vmem>>, vector<2528x8xf32>,
    return
  }
  func.func @transform_0(%arg0: i32) -> (i32, i32) {
    %c0_i32 = arith.constant 0 : i32
    %c0_i32_0 = arith.constant 0 : i32
    return %arg0, %c0_i32 : i32, i32
  }
  func.func @transform_1(%arg0: i32) -> (i32, i32) {
    %c0_i32 = arith.constant 0 : i32
    %c0_i32_0 = arith.constant 0 : i32
    %c0_i32_1 = arith.constant 0 : i32
    return %c0_i32, %c0_i32_0 : i32, i32
  }
  func.func @transform_2(%arg0: i32) -> (i32, i32) {
    %c0_i32 = arith.constant 0 : i32
    %c0_i32_0 = arith.constant 0 : i32
    return %arg0, %c0_i32 : i32, i32
  }
}

</mosaic_0001>

<sc_bundles>
// kernel: kernel.11.cloned.1.call-start
scs
__scs_entry_jumppad:
0x0: {  	(pc) =	sbr.rel $0x88, $3  }
0x1: {  	(tag) =	ssettag $0x0;
	lr =	simm.s32 $0x1  }
0x2: {  	[smem:$0x3F97] =	sst lr;
	_ =	strace $0xD0000000  }
0x3: {  	_ = 	snop  }
0x4: {  	_ = 	snop  }
0x5: {  	_ = 	snop  }
0x6: {  	_ = 	snop  }
0x7: {  	_ = 	snop  }
__scs_overlays_trampoline_lowered:
0x8: {  	[smem:$0x3FA6] =	sst s0  }
0x9: {  	[smem:$0x3FA7] =	sst s1  }
0xa: {  	[smem:$0x3FA8] =	sst s2  }
0xb: {  	[smem:$0x3FA9] =	sst s3  }
0xc: {  	[smem:$0x3FAA] =	sst s4  }
0xd: {  	[smem:$0x3FAB] =	sst s5  }
0xe: {  	[smem:$0x3FAC] =	sst s6  }
0xf: {  	[smem:$0x3FAD] =	sst s7  }
0x10: {  	[smem:$0x3FAE] =	sst s8  }
0x11: {  	[smem:$0x3FAF] =	sst s9;
	s0 =	simm.s32 @!p0 $0x0  }
0x12: {  	s1 =	sld [smem:$0x3F95];
	s0 =	simm.s32 @p0 $0x1  }
0x13: {  	[smem:$0x3FB0] =	sst s0;
	s0 =	simm.s32 @!p1 $0x0  }
0x14: {  	s2 =	sld [smem:$0x3F94];
	s0 =	simm.s32 @p1 $0x1  }
0x15: {  	[smem:$0x3FB1] =	sst s0;
	s0 =	simm.s32 @!p2 $0x0  }
0x16: {  	s3 =	sld [smem:$0x3FDB];
	s0 =	simm.s32 @p2 $0x1  }
0x17: {  	s4 =	simm.s32 $0x1BF5;
	[smem:$0x3FB3] =	sst s0  }
0x18: {  	s0 =	sld [smem:$0x3F96];
	_ =	swait.ge [sflag:s4], $0x0  }
0x19: {  	s7 =	sld [smem:$0x3F97]  }
0x1a: {  	s8 =	sadd.s32 $0xFFFFE003, lr  }
0x1b: {  	s9 =	sadd.s32 $0xFFFFFEF7, lr;
	s5 =	simm.s32 $0xFFFFFFFF;
	p2 =	slt.u32 s8, $0xFFFFF086  }
0x1c: {  	p1 =	slt.u32 s9, $0xF7A;
	s5 =	simm.s32 @!p2 $0x0  }
0x1d: {  	s5 =	simm.s32 @p1 $0x1;
	p0 =	seq.s32 s7, s2  }
0x1e: {  	s7 =	smul.u32 @!p0 $0xF7A, s2;
	p2 =	seq.s32 @!p0 s5, $0x0  }
0x1f: {  	s9 =	smul.u32 $0xF7A, s1;
	s8 =	simm.s32 @!p0 $0x1BF5;
	p2 =	por !p2, p0  }
0x20: {  	[sflag:s8] =	ssyncset.s32 @!p0 $0xFFFFF086;
	s6 =	sadd.s32 @!p0 s3, s7;
	s7 =	simm.s32 @!p0 $0x108  }
0x21: {  	s3 =	sadd.s32 s3, s9;
	s6 =	sadd.s32 @!p0 $0x88, s6;
	s7 =	simm.s32 @p2 $0x1082  }
0x22: {  	[simem:s7], [sflag:s8] =	dma.local @!p0 [hbm:s6], $0xF7A  }
0x23: {  	s9 =	sor.u32 $0xD0000000, s2;
	s6 =	simm.s32 $0x108;
	_ =	swait.ge @!p0 [sflag:s8], $0x0  }
0x24: {  	s3 =	sadd.s32 $0x88, s3;
	s6 =	simm.s32 @!p1 $0x1082;
	[sflag:s4] =	ssyncset.s32 $0xFFFFF086  }
0x25: {  	[simem:s6], [sflag:s4] =	dma.local [hbm:s3], $0xF7A  }
0x26: {  	[smem:$0x3F97] =	sst s1;
	(tag) =	ssettag s2;
	_ =	strace s9  }
0x27: {  	s1 =	sld [smem:$0x3FA7]  }
0x28: {  	s2 =	sld [smem:$0x3FA8]  }
0x29: {  	s4 =	sld [smem:$0x3FAA]  }
0x2a: {  	p0 =	seq.s32 s5, $0x0;
	s5 =	sld [smem:$0x3FAB]  }
0x2b: {  	s6 =	sld [smem:$0x3FAC]  }
0x2c: {  	s7 =	sld [smem:$0x3FAD]  }
0x2d: {  	s3 =	simm.s32 $0x108;
	s8 =	sld [smem:$0x3FAE]  }
0x2e: {  	s3 =	simm.s32 @!p0 $0x1082;
	s9 =	sld [smem:$0x3FAF]  }
0x2f: {  	lr =	sadd.s32 s0, s3;
	s0 =	sld [smem:$0x3FA6]  }
0x30: {  	s3 =	sld [smem:$0x3FA9]  }
0x31: {  	[smem:$0x3FB2] =	sst s10  }
0x32: {  	s10 =	sld [smem:$0x3FB0];
	_ =	sdelay $0x3  }
0x33: {  	p0 =	seq.s32 s10, $0x1;
	s10 =	sld [smem:$0x3FB2];
	_ =	sdelay $0x3  }
0x34: {  	[smem:$0x3FB2] =	sst s10  }
0x35: {  	s10 =	sld [smem:$0x3FB1];
	_ =	sdelay $0x3  }
0x36: {  	p1 =	seq.s32 s10, $0x1;
	s10 =	sld [smem:$0x3FB2];
	_ =	sdelay $0x3  }
0x37: {  	[smem:$0x3FB2] =	sst s10  }
0x38: {  	s10 =	sld [smem:$0x3FB3]  }
0x39: {  	_ = 	snop;
	(pc) =	sbr.ind lr, $3  }
0x3a: {  	_ = 	snop  }
0x3b: {  	_ = 	snop  }
0x3c: {  	p2 =	seq.s32 s10, $0x1;
	s10 =	sld [smem:$0x3FB2]  }
0x3d: {  	_ =	shalt  }
0x3e: {  	_ =	shalt  }
0x3f: {  	_ =	shalt  }
0x40: {  	_ =	shalt  }
0x41: {  	_ =	shalt  }
0x42: {  	_ =	shalt  }
0x43: {  	_ =	shalt  }
0x44: {  	_ =	shalt  }
0x45: {  	_ =	shalt  }
0x46: {  	_ =	shalt  }
0x47: {  	_ =	shalt  }
0x48: {  	_ =	shalt  }
0x49: {  	_ =	shalt  }
0x4a: {  	_ =	shalt  }
0x4b: {  	_ =	shalt  }
0x4c: {  	_ =	shalt  }
0x4d: {  	_ =	shalt  }
0x4e: {  	_ =	shalt  }
0x4f: {  	_ =	shalt  }
0x50: {  	_ =	shalt  }
0x51: {  	_ =	shalt  }
0x52: {  	_ =	shalt  }
0x53: {  	_ =	shalt  }
0x54: {  	_ =	shalt  }
0x55: {  	_ =	shalt  }
0x56: {  	_ =	shalt  }
0x57: {  	_ =	shalt  }
0x58: {  	_ =	shalt  }
0x59: {  	_ =	shalt  }
0x5a: {  	_ =	shalt  }
0x5b: {  	_ =	shalt  }
0x5c: {  	_ =	shalt  }
0x5d: {  	_ =	shalt  }
0x5e: {  	_ =	shalt  }
0x5f: {  	_ =	shalt  }
0x60: {  	_ =	shalt  }
0x61: {  	_ =	shalt  }
0x62: {  	_ =	shalt  }
0x63: {  	_ =	shalt  }
0x64: {  	_ =	shalt  }
0x65: {  	_ =	shalt  }
0x66: {  	_ =	shalt  }
0x67: {  	_ =	shalt  }
0x68: {  	_ =	shalt  }
0x69: {  	_ =	shalt  }
0x6a: {  	_ =	shalt  }
0x6b: {  	_ =	shalt  }
0x6c: {  	_ =	shalt  }
0x6d: {  	_ =	shalt  }
0x6e: {  	_ =	shalt  }
0x6f: {  	_ =	shalt  }
0x70: {  	_ =	shalt  }
0x71: {  	_ =	shalt  }
0x72: {  	_ =	shalt  }
0x73: {  	_ =	shalt  }
0x74: {  	_ =	shalt  }
0x75: {  	_ =	shalt  }
0x76: {  	_ =	shalt  }
0x77: {  	_ =	shalt  }
0x78: {  	_ =	shalt  }
0x79: {  	_ =	shalt  }
0x7a: {  	_ =	shalt  }
0x7b: {  	_ =	shalt  }
0x7c: {  	_ =	shalt  }
0x7d: {  	_ =	shalt  }
0x7e: {  	_ =	shalt  }
0x7f: {  	_ =	shalt  }
0x80: {  	_ =	shalt  }
0x81: {  	_ =	shalt  }
0x82: {  	_ =	shalt  }
0x83: {  	_ =	shalt  }
0x84: {  	_ =	shalt  }
0x85: {  	_ =	shalt  }
0x86: {  	_ =	shalt  }
0x87: {  	_ =	shalt  }
.Lfunc_end0:
.L_simem_size_0:
called_computation.1_lowered:
.L_overlay_start_0:
0x88: {  	s2 =	sld [smem:$0x3FD9]  }
0x89: {  	s3 =	sld [smem:$0x3FFE];
	_ =	sdelay $0x1  }
0x8a: {  	s1 =	srdreg.scid  }
0x8b: {  	s0 =	sand.u32 $0x1, s1  }
0x8c: {  	s16 =	sshll.u32 s0, $0xA;
	s2 =	sadd.s32 s3, s2  }
0x8d: {  	s2 =	sadd.s32 s2, s16  }
0x8e: {  	[smem:$0x3FBE] =	sst s2  }
0x8f: {  	_ = 	snop  }
0x90: {  	(tm) =	ssettm $0x1  }
0x91: {  	s17 =	sld [smem:$0x3FFB];
	_ =	sdelay $0x3  }
0x92: {  	_ =	strace s17  }
0x93: {  	s2 =	sld [smem:$0x3FFC];
	_ =	sdelay $0x3  }
0x94: {  	_ =	strace s2  }
0x95: {  	s2 =	sld [smem:$0x3FFD];
	_ =	sdelay $0x3  }
0x96: {  	_ =	strace s2  }
0x97: {  	_ =	strace $0x8FFFFFFF  }
0x98: {  	s18 =	sld [smem:$0x3FDB];
	_ =	sdelay $0x1  }
0x99: {  	s19 =	simm.s32 $_scs_section_size  }
0x9a: {  	s4 =	simm.s32 $_size__tile_overlayer_lowered;
	s5 =	simm.s32 $_tile_overlayer_lowered  }
0x9b: {  	s22 =	simm.s32 $0x1BFF;
	s21 =	sshll.u32 s5, $0x1;
	s2 =	sadd.s32 s19, s18  }
0x9c: {  	s6 =	simm.s32 $0x0;
	s20 =	sshll.u32 s4, $0x1;
	s4 =	sadd.s32 s21, s2  }
0x9d: {  	[timem:s6], [sflag:s22] =	dma.local [hbm:s4], s20  }
0x9e: {  	_ =	swait.ge [sflag:s22], s20  }
0x9f: {  	s3 =	ssub.s32 $0x0, s20;
	[sflag:s22] =	ssyncset.done $0x0  }
0xa0: {  	[sflag:s22] =	ssyncadd.s32 s3;
	_ =	sdelay $0x1  }
0xa1: {  	s23 =	simm.s32 $0x1B8B  }
0xa2: {  	_ =	swait.ge [sflag:s23], $0x1  }
0xa3: {  	[sflag:s23] =	ssyncset.done $0x0  }
0xa4: {  	s25 =	simm.s32 $0x1B8E;
	s24 =	sld [smem:$0x3FFE];
	[sflag:s23] =	ssyncadd.s32 $0xFFFFFFFF  }
0xa5: {  	s26 =	simm.s32 $execute0_lowered;
	[smem:$0x3FD2] =	sst s25  }
0xa6: {  	s4 =	sshll.u32 s26, $0x1;
	_ =	strace $0x80000049;
	[dreg:$0x1] =	wrdreg $0xFFFFFFFF  }
0xa7: {  	s28 =	simm.s32 $_size_execute0_lowered;
	s2 =	sadd.s32 s2, s4;
	[dreg:$0x0] =	wrdreg $0x0  }
0xa8: {  	s4 =	sshll.u32 s28, $0x1;
	[dreg:$0x2] =	wrdreg s2  }
0xa9: {  	[dreg:$0x3] =	wrdreg s4  }
0xaa: {  	[dreg:$0x4] =	wrdreg $0xC0  }
0xab: {  	_ =	task [dreg:s6], $0x5FFFF  }
0xac: {  	[dreg:$0x1] =	wrdreg $0xFFFFFFFF  }
0xad: {  	[dreg:$0x0] =	wrdreg $0x60  }
0xae: {  	[dreg:$0x2] =	wrdreg s24  }
0xaf: {  	[dreg:$0x3] =	wrdreg $0xC0000  }
0xb0: {  	[dreg:$0x4] =	wrdreg $0x9  }
0xb1: {  	_ =	task.clear_ibuf [dreg:s6], $0x5FFFF;
	_ =	strace $0x90000049  }
0xb2: {  	s29 =	simm.s32 $0x9;
	_ =	strace $0x8000004B  }
0xb3: {  	_ =	swait.ge [sflag:s29], $0x1  }
0xb4: {  	[sflag:s29] =	ssyncadd.s32 $0xFFFFFFFF  }
0xb5: {  	_ =	strace $0x9000004B  }
0xb6: {  	_ =	sfence  }
0xb7: {  	s30 =	sld [smem:$0x0];
	_ =	sdelay $0x2  }
0xb8: {  	s31 =	sshll.u32 s1, $0xD;
	s1 =	sshrl.u32 s1, $0x2  }
0xb9: {  	s3 =	sand.u32 $0x4000, s31;
	s1 =	sadd.s32 s1, s30  }
0xba: {  	s0 =	sor.u32 s3, s0;
	s1 =	sshll.u32 s1, $0x11  }
0xbb: {  	s0 =	sor.u32 s1, s0  }
0xbc: {  	s0 =	sadd.s32 $0x8F2B, s0  }
0xbd: {  	[sflag:s0] =	ssyncadd.remote.s32 $0x1  }
0xbe: {  	_ =	sfence.sel $0xFFFF  }
0xbf: {  	[dreg:$0x0] =	wrdreg $0xFFFFFFFF;
	(pc) =	sbr.abs _section_cstart, $3  }
0xc0: {  	[dreg:$0x1] =	wrdreg $0xFFFFFFFF  }
0xc1: {  	_ =	task.clear_ibuf [dreg:s6], $0x2FFFF;
	_ =	strace $0x9FFFFFFF  }
0xc2: {  	(tm) =	ssettm $0x7FFFFFFF  }
0xc3: {  	_ =	shalt  }
tec
execute0_lowered:
.L_overlay_start_1:
0x0: {  	(tag) =	ssettag $0x1  }
0x1: {  	s5 =	rddreg [dreg:$0x0]  }
0x2: {  	s2 =	rddreg [dreg:$0x1];
	s3 =	simm.s32 $0x0  }
0x3: {  	s11 =	simm.s32 $0x80;
	[smem:$0x7FF] =	sst s3  }
0x4: {  	s12 =	simm.s32 $0x100;
	_ =	strace $0x8000004A;
	[dreg:$0x5] =	wrdreg s11  }
0x5: {  	s13 =	simm.s32 $0x180;
	[dreg:$0x6] =	wrdreg s12  }
0x6: {  	s9 =	stileid.u32;
	s14 =	simm.s32 $0xC80;
	[dreg:$0x7] =	wrdreg s13  }
0x7: {  	s0 =	srdreg.scid;
	s15 =	simm.s32 $0x200;
	[dreg:$0x8] =	wrdreg s14  }
0x8: {  	s16 =	simm.s32 $0xD00;
	s17 =	simm.s32 $0x280;
	[dreg:$0x9] =	wrdreg s15  }
0x9: {  	s18 =	simm.s32 $0xD80;
	s19 =	simm.s32 $0x300;
	[dreg:$0xa] =	wrdreg s16  }
0xa: {  	s20 =	simm.s32 $0xE00;
	s21 =	simm.s32 $0x380;
	[dreg:$0xb] =	wrdreg s17  }
0xb: {  	s22 =	simm.s32 $0xE80;
	s24 =	simm.s32 $0x400;
	[dreg:$0xc] =	wrdreg s18  }
0xc: {  	s26 =	simm.s32 $0xF00;
	s28 =	simm.s32 $0x1580;
	[dreg:$0xd] =	wrdreg s19  }
0xd: {  	s29 =	simm.s32 $0xB00;
	s30 =	simm.s32 $0x1600;
	[dreg:$0xe] =	wrdreg s20  }
0xe: {  	s31 =	simm.s32 $0xB80;
	s1 =	smul.u32 $0x60, s9;
	[dreg:$0xf] =	wrdreg s21  }
0xf: {  	s0 =	sand.u32 $0x1, s0;
	s6 =	smul.u32 $0x13C00, s9;
	[dreg:$0x10] =	wrdreg s22  }
0x10: {  	s25 =	smul.u32 $0x4F000, s9;
	p0 =	seq.s32 s0, $0x0;
	[dreg:$0x11] =	wrdreg s24  }
0x11: {  	s8 =	smul.u32 $0x13C000, s0;
	[dreg:$0x12] =	wrdreg s26;
	s11 =	simm.s32 $0x500  }
0x12: {  	s0 =	ssub.s32 $0x2, s0;
	s12 =	simm.s32 $0x1000;
	[dreg:$0x15] =	wrdreg s11  }
0x13: {  	s13 =	sshll.u32 s9, $0x6;
	s14 =	simm.s32 $0x580;
	[dreg:$0x16] =	wrdreg s12  }
0x14: {  	s15 =	simm.s32 $0x1080;
	s16 =	simm.s32 $0x600;
	[dreg:$0x17] =	wrdreg s14  }
0x15: {  	s17 =	simm.s32 $0x1100;
	s18 =	simm.s32 $0x680;
	[dreg:$0x18] =	wrdreg s15  }
0x16: {  	s19 =	simm.s32 $0x1180;
	s20 =	simm.s32 $0x700;
	[dreg:$0x19] =	wrdreg s16  }
0x17: {  	s21 =	simm.s32 $0x1200;
	s22 =	simm.s32 $0x780;
	[dreg:$0x1a] =	wrdreg s17  }
0x18: {  	s24 =	simm.s32 $0x800;
	s26 =	simm.s32 $0x880;
	[dreg:$0x1b] =	wrdreg s18  }
0x19: {  	s9 =	simm.s32 $0x0;
	s4 =	sadd.s32 $0x600, s1;
	[dreg:$0x1c] =	wrdreg s19  }
0x1a: {  	s7 =	sshrl.u32 s6, $0x3;
	s23 =	sshrl.u32 s0, $0x1;
	[dreg:$0x1d] =	wrdreg s20  }
0x1b: {  	s11 =	simm.s32 $0xC00;
	s12 =	simm.s32 $0x70;
	[dreg:$0x1e] =	wrdreg s21  }
0x1c: {  	s14 =	simm.s32 $0x5000;
	[dreg:$0x1f] =	wrdreg s22;
	s15 =	simm.s32 $0x8800  }
0x1d: {  	s16 =	simm.s32 $0x1;
	[smem:$0x7F9] =	sst s24;
	s17 =	simm.s32 $0x2  }
0x1e: {  	s18 =	simm.s32 $0x3;
	[smem:$0x7FB] =	sst s26;
	s19 =	simm.s32 $0x1380  }
0x1f: {  	s20 =	simm.s32 $0x900;
	s21 =	simm.s32 $0x1400;
	s22 =	simm.s32 $0x980  }
0x20: {  	s24 =	simm.s32 $0xA00;
	s26 =	simm.s32 $0xA80;
	s4 =	smov.u32 @p0 s1  }
0x21: {  	s7 =	sadd.s32 s7, s5;
	s6 =	sadd.s32 s6, s8;
	s0 =	ssub.s32 s0, s23  }
0x22: {  	s8 =	sshrl.u32 s25, $0x2;
	s23 =	simm.s32 $0x1280;
	s25 =	simm.s32 $0x1300  }
0x23: {  	s1 =	sshll.u32 s4, $0x4;
	s4 =	sadd.s32 $0x35200, s5;
	[smem:$0x7F8] =	sst s23  }
0x24: {  	s6 =	sshrl.u32 s6, $0x3;
	s7 =	sadd.s32 $0xDA00, s7;
	[smem:$0x7FA] =	sst s25  }
0x25: {  	s0 =	smax.u32 s0, $0x1;
	s1 =	sadd.s32 s1, s5;
	[smem:$0x7F5] =	sst s7  }
0x26: {  	s5 =	sadd.s32 s6, s5;
	s6 =	simm.s32 $0x480;
	[smem:$0x7F7] =	sst s0  }
0x27: {  	s23 =	simm.s32 $0x1480;
	s7 =	sor.u32 $0x1C04, s13;
	[dreg:$0x13] =	wrdreg s6  }
0x28: {  	s25 =	simm.s32 $0x1500;
	s10 =	sadd.s32 $0xABA00, s1;
	[smem:$0x7FC] =	sst s7  }
0x29: {  	s13 =	simm.s32 $0x1800;
	s1 =	sadd.s32 $0x1A00, s1;
	[dreg:$0x3] =	wrdreg s10  }
0x2a: {  	s0 =	simm.s32 $0x1700;
	s5 =	sadd.s32 $0xB7A00, s5;
	[dreg:$0x4] =	wrdreg s1  }
0x2b: {  	s6 =	sadd.s32 s8, s2;
	s10 =	simm.s32 $0xF80;
	[smem:$0x7F6] =	sst s5  }
0x2c: {  	s8 =	sshrl.u32 s6, $0x3;
	s1 =	simm.s32 $0x1680;
	[dreg:$0x14] =	wrdreg s10  }
0x2d: {  	s5 =	simm.s32 $0x1780;
	s10 =	simm.s32 $0x4;
	[smem:$0x7FD] =	sst s8  }
.LBB2_1:
0x2e: {  	s6 =	sld [smem:$0x7F5];
	_ =	sdelay $0x1  }
0x2f: {  	[smem:$0x7F4] =	sst s9  }
0x30: {  	[spmem:s8], [sflag:s7] =	dma.local [hbm:s6], $0x2780  }
0x31: {  	_ =	swait.ge [sflag:s10], $0x2780  }
0x32: {  	[sflag:s10] =	ssyncset.done $0x0  }
0x33: {  	[sflag:s10] =	ssyncadd.s32 $0xFFFFD880  }
0x34: {  	[bflag:$0x0] =	sbarrier.arrive $0xFFFF  }
0x35: {  	s7 =	rddreg [dreg:$0x3]  }
0x36: {  	s6 =	sadd.s32 $0x0, s7  }
0x37: {  	[tilespmem:s3], [sflag:$0x4] =	stream.linear.gather [hbm4b:s6+s3], $0xC00, $0x38;
	[tilespmem:$0x1FC00] =	vst v63  }
0x38: {  	_ =	swait.ge [sflag:s10], $0xC00  }
0x39: {  	s8 =	rddreg [dreg:$0x4];
	[sflag:s10] =	ssyncset.done $0x0  }
0x3a: {  	[sflag:s10] =	ssyncadd.s32 $0xFFFFF400;
	s6 =	sadd.s32 $0x0, s8  }
0x3b: {  	[tilespmem:s11], [sflag:$0x4] =	stream.linear.gather [hbm4b:s6+s3], $0xC00, $0x38;
	[tilespmem:$0x1FC00] =	vst v63  }
0x3c: {  	_ =	swait.ge [sflag:s10], $0xC00  }
0x3d: {  	[sflag:s10] =	ssyncset.done $0x0  }
0x3e: {  	[sflag:s10] =	ssyncadd.s32 $0xFFFFF400  }
0x3f: {  	[tilespmem:s13], [sflag:$0x1] =	stream.indirect.gather [hbm4b:s4+s12], $0x80, s3, s12, $0xb8;
	[tilespmem:$0x1FC00] =	vst v63  }
0x40: {  	s9 =	rddreg [dreg:$0x5]  }
0x41: {  	[tilespmem:s14], [sflag:$0x2] =	stream.indirect.gather [hbm4b:s4+s12], $0x80, s9, s12, $0xb8;
	[tilespmem:$0x1FC00] =	vst v63  }
0x42: {  	s7 =	rddreg [dreg:$0x6]  }
0x43: {  	[tilespmem:s15], [sflag:$0x3] =	stream.indirect.gather [hbm4b:s4+s12], $0x80, s7, s12, $0xb8;
	[tilespmem:$0x1FC00] =	vst v63  }
0x44: {  	_ =	swait.ge [sflag:s16], $0x3800  }
0x45: {  	[sflag:s16] =	ssyncset.done $0x0  }
0x46: {  	[sflag:s16] =	ssyncadd.s32 $0xFFFFC800  }
0x47: {  	[spmem:s2] =	stream.indirect.scatter.add.f32 [tilespmem:s13], [sflag:$0x4], $0x80, s11, s12, $0xb8;
	[tilespmem:$0x1FC00] =	vst v63  }
0x48: {  	_ =	swait.ge [sflag:s10], $0x3800  }
0x49: {  	[sflag:s10] =	ssyncset.done $0x0  }
0x4a: {  	s8 =	rddreg [dreg:$0x7];
	[sflag:s10] =	ssyncadd.s32 $0xFFFFC800  }
0x4b: {  	[tilespmem:s13], [sflag:$0x1] =	stream.indirect.gather [hbm4b:s4+s12], $0x80, s8, s12, $0xb8;
	[tilespmem:$0x1FC00] =	vst v63  }
0x4c: {  	_ =	swait.ge [sflag:s17], $0x3800  }
0x4d: {  	[sflag:s17] =	ssyncset.done $0x0  }
0x4e: {  	s9 =	rddreg [dreg:$0x8];
	[sflag:s17] =	ssyncadd.s32 $0xFFFFC800  }
0x4f: {  	[spmem:s2] =	stream.indirect.scatter.add.f32 [tilespmem:s14], [sflag:$0x4], $0x80, s9, s12, $0xb8;
	[tilespmem:$0x1FC00] =	vst v63  }
0x50: {  	_ =	swait.ge [sflag:s10], $0x3800  }
0x51: {  	[sflag:s10] =	ssyncset.done $0x0  }
0x52: {  	s7 =	rddreg [dreg:$0x9];
	[sflag:s10] =	ssyncadd.s32 $0xFFFFC800  }
0x53: {  	[tilespmem:s14], [sflag:$0x2] =	stream.indirect.gather [hbm4b:s4+s12], $0x80, s7, s12, $0xb8;
	[tilespmem:$0x1FC00] =	vst v63  }
0x54: {  	_ =	swait.ge [sflag:s18], $0x3800  }
0x55: {  	[sflag:s18] =	ssyncset.done $0x0  }
0x56: {  	s8 =	rddreg [dreg:$0xa];
	[sflag:s18] =	ssyncadd.s32 $0xFFFFC800  }
0x57: {  	[spmem:s2] =	stream.indirect.scatter.add.f32 [tilespmem:s15], [sflag:$0x4], $0x80, s8, s12, $0xb8;
	[tilespmem:$0x1FC00] =	vst v63  }
0x58: {  	_ =	swait.ge [sflag:s10], $0x3800  }
0x59: {  	[sflag:s10] =	ssyncset.done $0x0  }
0x5a: {  	s9 =	rddreg [dreg:$0xb];
	[sflag:s10] =	ssyncadd.s32 $0xFFFFC800  }
0x5b: {  	[tilespmem:s15], [sflag:$0x3] =	stream.indirect.gather [hbm4b:s4+s12], $0x80, s9, s12, $0xb8;
	[tilespmem:$0x1FC00] =	vst v63  }
0x5c: {  	_ =	swait.ge [sflag:s16], $0x3800  }
0x5d: {  	[sflag:s16] =	ssyncset.done $0x0  }
0x5e: {  	s7 =	rddreg [dreg:$0xc];
	[sflag:s16] =	ssyncadd.s32 $0xFFFFC800  }
0x5f: {  	[spmem:s2] =	stream.indirect.scatter.add.f32 [tilespmem:s13], [sflag:$0x4], $0x80, s7, s12, $0xb8;
	[tilespmem:$0x1FC00] =	vst v63  }
0x60: {  	_ =	swait.ge [sflag:s10], $0x3800  }
0x61: {  	[sflag:s10] =	ssyncset.done $0x0  }
0x62: {  	s8 =	rddreg [dreg:$0xd];
	[sflag:s10] =	ssyncadd.s32 $0xFFFFC800  }
0x63: {  	[tilespmem:s13], [sflag:$0x1] =	stream.indirect.gather [hbm4b:s4+s12], $0x80, s8, s12, $0xb8;
	[tilespmem:$0x1FC00] =	vst v63  }
0x64: {  	_ =	swait.ge [sflag:s17], $0x3800  }
0x65: {  	[sflag:s17] =	ssyncset.done $0x0  }
0x66: {  	s9 =	rddreg [dreg:$0xe];
	[sflag:s17] =	ssyncadd.s32 $0xFFFFC800  }
0x67: {  	[spmem:s2] =	stream.indirect.scatter.add.f32 [tilespmem:s14], [sflag:$0x4], $0x80, s9, s12, $0xb8;
	[tilespmem:$0x1FC00] =	vst v63  }
0x68: {  	_ =	swait.ge [sflag:s10], $0x3800  }
0x69: {  	[sflag:s10] =	ssyncset.done $0x0  }
0x6a: {  	s7 =	rddreg [dreg:$0xf];
	[sflag:s10] =	ssyncadd.s32 $0xFFFFC800  }
0x6b: {  	[tilespmem:s14], [sflag:$0x2] =	stream.indirect.gather [hbm4b:s4+s12], $0x80, s7, s12, $0xb8;
	[tilespmem:$0x1FC00] =	vst v63  }
0x6c: {  	_ =	swait.ge [sflag:s18], $0x3800  }
0x6d: {  	[sflag:s18] =	ssyncset.done $0x0  }
0x6e: {  	s8 =	rddreg [dreg:$0x10];
	[sflag:s18] =	ssyncadd.s32 $0xFFFFC800  }
0x6f: {  	[spmem:s2] =	stream.indirect.scatter.add.f32 [tilespmem:s15], [sflag:$0x4], $0x80, s8, s12, $0xb8;
	[tilespmem:$0x1FC00] =	vst v63  }
0x70: {  	_ =	swait.ge [sflag:s10], $0x3800  }
0x71: {  	[sflag:s10] =	ssyncset.done $0x0  }
0x72: {  	s9 =	rddreg [dreg:$0x11];
	[sflag:s10] =	ssyncadd.s32 $0xFFFFC800  }
0x73: {  	[tilespmem:s15], [sflag:$0x3] =	stream.indirect.gather [hbm4b:s4+s12], $0x80, s9, s12, $0xb8;
	[tilespmem:$0x1FC00] =	vst v63  }
0x74: {  	_ =	swait.ge [sflag:s16], $0x3800  }
0x75: {  	[sflag:s16] =	ssyncset.done $0x0  }
0x76: {  	s7 =	rddreg [dreg:$0x12];
	[sflag:s16] =	ssyncadd.s32 $0xFFFFC800  }
0x77: {  	[spmem:s2] =	stream.indirect.scatter.add.f32 [tilespmem:s13], [sflag:$0x4], $0x80, s7, s12, $0xb8;
	[tilespmem:$0x1FC00] =	vst v63  }
0x78: {  	_ =	swait.ge [sflag:s10], $0x3800  }
0x79: {  	[sflag:s10] =	ssyncset.done $0x0  }
0x7a: {  	s8 =	rddreg [dreg:$0x13];
	[sflag:s10] =	ssyncadd.s32 $0xFFFFC800  }
0x7b: {  	[tilespmem:s13], [sflag:$0x1] =	stream.indirect.gather [hbm4b:s4+s12], $0x80, s8, s12, $0xb8;
	[tilespmem:$0x1FC00] =	vst v63  }
0x7c: {  	_ =	swait.ge [sflag:s17], $0x3800  }
0x7d: {  	[sflag:s17] =	ssyncset.done $0x0  }
0x7e: {  	s9 =	rddreg [dreg:$0x14];
	[sflag:s17] =	ssyncadd.s32 $0xFFFFC800  }
0x7f: {  	[spmem:s2] =	stream.indirect.scatter.add.f32 [tilespmem:s14], [sflag:$0x4], $0x80, s9, s12, $0xb8;
	[tilespmem:$0x1FC00] =	vst v63  }
0x80: {  	_ =	swait.ge [sflag:s10], $0x3800  }
0x81: {  	[sflag:s10] =	ssyncset.done $0x0  }
0x82: {  	s7 =	rddreg [dreg:$0x15];
	[sflag:s10] =	ssyncadd.s32 $0xFFFFC800  }
0x83: {  	[tilespmem:s14], [sflag:$0x2] =	stream.indirect.gather [hbm4b:s4+s12], $0x80, s7, s12, $0xb8;
	[tilespmem:$0x1FC00] =	vst v63  }
0x84: {  	_ =	swait.ge [sflag:s18], $0x3800  }
0x85: {  	[sflag:s18] =	ssyncset.done $0x0  }
0x86: {  	s8 =	rddreg [dreg:$0x16];
	[sflag:s18] =	ssyncadd.s32 $0xFFFFC800  }
0x87: {  	[spmem:s2] =	stream.indirect.scatter.add.f32 [tilespmem:s15], [sflag:$0x4], $0x80, s8, s12, $0xb8;
	[tilespmem:$0x1FC00] =	vst v63  }
0x88: {  	_ =	swait.ge [sflag:s10], $0x3800  }
0x89: {  	[sflag:s10] =	ssyncset.done $0x0  }
0x8a: {  	s9 =	rddreg [dreg:$0x17];
	[sflag:s10] =	ssyncadd.s32 $0xFFFFC800  }
0x8b: {  	[tilespmem:s15], [sflag:$0x3] =	stream.indirect.gather [hbm4b:s4+s12], $0x80, s9, s12, $0xb8;
	[tilespmem:$0x1FC00] =	vst v63  }
0x8c: {  	_ =	swait.ge [sflag:s16], $0x3800  }
0x8d: {  	[sflag:s16] =	ssyncset.done $0x0  }
0x8e: {  	s7 =	rddreg [dreg:$0x18];
	[sflag:s16] =	ssyncadd.s32 $0xFFFFC800  }
0x8f: {  	[spmem:s2] =	stream.indirect.scatter.add.f32 [tilespmem:s13], [sflag:$0x4], $0x80, s7, s12, $0xb8;
	[tilespmem:$0x1FC00] =	vst v63  }
0x90: {  	_ =	swait.ge [sflag:s10], $0x3800  }
0x91: {  	[sflag:s10] =	ssyncset.done $0x0  }
0x92: {  	s8 =	rddreg [dreg:$0x19];
	[sflag:s10] =	ssyncadd.s32 $0xFFFFC800  }
0x93: {  	[tilespmem:s13], [sflag:$0x1] =	stream.indirect.gather [hbm4b:s4+s12], $0x80, s8, s12, $0xb8;
	[tilespmem:$0x1FC00] =	vst v63  }
0x94: {  	_ =	swait.ge [sflag:s17], $0x3800  }
0x95: {  	[sflag:s17] =	ssyncset.done $0x0  }
0x96: {  	s9 =	rddreg [dreg:$0x1a];
	[sflag:s17] =	ssyncadd.s32 $0xFFFFC800  }
0x97: {  	[spmem:s2] =	stream.indirect.scatter.add.f32 [tilespmem:s14], [sflag:$0x4], $0x80, s9, s12, $0xb8;
	[tilespmem:$0x1FC00] =	vst v63  }
0x98: {  	_ =	swait.ge [sflag:s10], $0x3800  }
0x99: {  	[sflag:s10] =	ssyncset.done $0x0  }
0x9a: {  	s7 =	rddreg [dreg:$0x1b];
	[sflag:s10] =	ssyncadd.s32 $0xFFFFC800  }
0x9b: {  	[tilespmem:s14], [sflag:$0x2] =	stream.indirect.gather [hbm4b:s4+s12], $0x80, s7, s12, $0xb8;
	[tilespmem:$0x1FC00] =	vst v63  }
0x9c: {  	_ =	swait.ge [sflag:s18], $0x3800  }
0x9d: {  	[sflag:s18] =	ssyncset.done $0x0  }
0x9e: {  	s8 =	rddreg [dreg:$0x1c];
	[sflag:s18] =	ssyncadd.s32 $0xFFFFC800  }
0x9f: {  	[spmem:s2] =	stream.indirect.scatter.add.f32 [tilespmem:s15], [sflag:$0x4], $0x80, s8, s12, $0xb8;
	[tilespmem:$0x1FC00] =	vst v63  }
0xa0: {  	_ =	swait.ge [sflag:s10], $0x3800  }
0xa1: {  	[sflag:s10] =	ssyncset.done $0x0  }
0xa2: {  	s9 =	rddreg [dreg:$0x1d];
	[sflag:s10] =	ssyncadd.s32 $0xFFFFC800  }
0xa3: {  	[tilespmem:s15], [sflag:$0x3] =	stream.indirect.gather [hbm4b:s4+s12], $0x80, s9, s12, $0xb8;
	[tilespmem:$0x1FC00] =	vst v63  }
0xa4: {  	_ =	swait.ge [sflag:s16], $0x3800  }
0xa5: {  	[sflag:s16] =	ssyncset.done $0x0  }
0xa6: {  	s7 =	rddreg [dreg:$0x1e];
	[sflag:s16] =	ssyncadd.s32 $0xFFFFC800  }
0xa7: {  	[spmem:s2] =	stream.indirect.scatter.add.f32 [tilespmem:s13], [sflag:$0x4], $0x80, s7, s12, $0xb8;
	[tilespmem:$0x1FC00] =	vst v63  }
0xa8: {  	_ =	swait.ge [sflag:s10], $0x3800  }
0xa9: {  	[sflag:s10] =	ssyncset.done $0x0  }
0xaa: {  	s8 =	rddreg [dreg:$0x1f];
	[sflag:s10] =	ssyncadd.s32 $0xFFFFC800  }
0xab: {  	[tilespmem:s13], [sflag:$0x1] =	stream.indirect.gather [hbm4b:s4+s12], $0x80, s8, s12, $0xb8;
	[tilespmem:$0x1FC00] =	vst v63  }
0xac: {  	_ =	swait.ge [sflag:s17], $0x3800  }
0xad: {  	s9 =	sld [smem:$0x7F8]  }
0xae: {  	[sflag:s17] =	ssyncset.done $0x0  }
0xaf: {  	[sflag:s17] =	ssyncadd.s32 $0xFFFFC800  }
0xb0: {  	[spmem:s2] =	stream.indirect.scatter.add.f32 [tilespmem:s14], [sflag:$0x4], $0x80, s9, s12, $0xb8;
	[tilespmem:$0x1FC00] =	vst v63  }
0xb1: {  	_ =	swait.ge [sflag:s10], $0x3800  }
0xb2: {  	s7 =	sld [smem:$0x7F9]  }
0xb3: {  	[sflag:s10] =	ssyncset.done $0x0  }
0xb4: {  	[sflag:s10] =	ssyncadd.s32 $0xFFFFC800  }
0xb5: {  	[tilespmem:s14], [sflag:$0x2] =	stream.indirect.gather [hbm4b:s4+s12], $0x80, s7, s12, $0xb8;
	[tilespmem:$0x1FC00] =	vst v63  }
0xb6: {  	_ =	swait.ge [sflag:s18], $0x3800  }
0xb7: {  	s8 =	sld [smem:$0x7FA]  }
0xb8: {  	[sflag:s18] =	ssyncset.done $0x0  }
0xb9: {  	[sflag:s18] =	ssyncadd.s32 $0xFFFFC800  }
0xba: {  	[spmem:s2] =	stream.indirect.scatter.add.f32 [tilespmem:s15], [sflag:$0x4], $0x80, s8, s12, $0xb8;
	[tilespmem:$0x1FC00] =	vst v63  }
0xbb: {  	_ =	swait.ge [sflag:s10], $0x3800  }
0xbc: {  	s9 =	sld [smem:$0x7FB]  }
0xbd: {  	[sflag:s10] =	ssyncset.done $0x0  }
0xbe: {  	[sflag:s10] =	ssyncadd.s32 $0xFFFFC800  }
0xbf: {  	[tilespmem:s15], [sflag:$0x3] =	stream.indirect.gather [hbm4b:s4+s12], $0x80, s9, s12, $0xb8;
	[tilespmem:$0x1FC00] =	vst v63  }
0xc0: {  	_ =	swait.ge [sflag:s16], $0x3800  }
0xc1: {  	[sflag:s16] =	ssyncset.done $0x0  }
0xc2: {  	[sflag:s16] =	ssyncadd.s32 $0xFFFFC800  }
0xc3: {  	[spmem:s2] =	stream.indirect.scatter.add.f32 [tilespmem:s13], [sflag:$0x4], $0x80, s19, s12, $0xb8;
	[tilespmem:$0x1FC00] =	vst v63  }
0xc4: {  	_ =	swait.ge [sflag:s10], $0x3800  }
0xc5: {  	[sflag:s10] =	ssyncset.done $0x0  }
0xc6: {  	[sflag:s10] =	ssyncadd.s32 $0xFFFFC800  }
0xc7: {  	[tilespmem:s13], [sflag:$0x1] =	stream.indirect.gather [hbm4b:s4+s12], $0x80, s20, s12, $0xb8;
	[tilespmem:$0x1FC00] =	vst v63  }
0xc8: {  	_ =	swait.ge [sflag:s17], $0x3800  }
0xc9: {  	[sflag:s17] =	ssyncset.done $0x0  }
0xca: {  	[sflag:s17] =	ssyncadd.s32 $0xFFFFC800  }
0xcb: {  	[spmem:s2] =	stream.indirect.scatter.add.f32 [tilespmem:s14], [sflag:$0x4], $0x80, s21, s12, $0xb8;
	[tilespmem:$0x1FC00] =	vst v63  }
0xcc: {  	_ =	swait.ge [sflag:s10], $0x3800  }
0xcd: {  	[sflag:s10] =	ssyncset.done $0x0  }
0xce: {  	[sflag:s10] =	ssyncadd.s32 $0xFFFFC800  }
0xcf: {  	[tilespmem:s14], [sflag:$0x2] =	stream.indirect.gather [hbm4b:s4+s12], $0x80, s22, s12, $0xb8;
	[tilespmem:$0x1FC00] =	vst v63  }
0xd0: {  	_ =	swait.ge [sflag:s18], $0x3800  }
0xd1: {  	[sflag:s18] =	ssyncset.done $0x0  }
0xd2: {  	[sflag:s18] =	ssyncadd.s32 $0xFFFFC800  }
0xd3: {  	[spmem:s2] =	stream.indirect.scatter.add.f32 [tilespmem:s15], [sflag:$0x4], $0x80, s23, s12, $0xb8;
	[tilespmem:$0x1FC00] =	vst v63  }
0xd4: {  	_ =	swait.ge [sflag:s10], $0x3800  }
0xd5: {  	[sflag:s10] =	ssyncset.done $0x0  }
0xd6: {  	[sflag:s10] =	ssyncadd.s32 $0xFFFFC800  }
0xd7: {  	[tilespmem:s15], [sflag:$0x3] =	stream.indirect.gather [hbm4b:s4+s12], $0x80, s24, s12, $0xb8;
	[tilespmem:$0x1FC00] =	vst v63  }
0xd8: {  	_ =	swait.ge [sflag:s16], $0x3800  }
0xd9: {  	[sflag:s16] =	ssyncset.done $0x0  }
0xda: {  	[sflag:s16] =	ssyncadd.s32 $0xFFFFC800  }
0xdb: {  	[spmem:s2] =	stream.indirect.scatter.add.f32 [tilespmem:s13], [sflag:$0x4], $0x80, s25, s12, $0xb8;
	[tilespmem:$0x1FC00] =	vst v63  }
0xdc: {  	_ =	swait.ge [sflag:s10], $0x3800  }
0xdd: {  	[sflag:s10] =	ssyncset.done $0x0  }
0xde: {  	[sflag:s10] =	ssyncadd.s32 $0xFFFFC800  }
0xdf: {  	[tilespmem:s13], [sflag:$0x1] =	stream.indirect.gather [hbm4b:s4+s12], $0x80, s26, s12, $0xb8;
	[tilespmem:$0x1FC00] =	vst v63  }
0xe0: {  	_ =	swait.ge [sflag:s17], $0x3800  }
0xe1: {  	[sflag:s17] =	ssyncset.done $0x0  }
0xe2: {  	[sflag:s17] =	ssyncadd.s32 $0xFFFFC800  }
0xe3: {  	[spmem:s2] =	stream.indirect.scatter.add.f32 [tilespmem:s14], [sflag:$0x4], $0x80, s28, s12, $0xb8;
	[tilespmem:$0x1FC00] =	vst v63  }
0xe4: {  	_ =	swait.ge [sflag:s10], $0x3800  }
0xe5: {  	[sflag:s10] =	ssyncset.done $0x0  }
0xe6: {  	[sflag:s10] =	ssyncadd.s32 $0xFFFFC800  }
0xe7: {  	[tilespmem:s14], [sflag:$0x2] =	stream.indirect.gather [hbm4b:s4+s12], $0x80, s29, s12, $0xb8;
	[tilespmem:$0x1FC00] =	vst v63  }
0xe8: {  	_ =	swait.ge [sflag:s18], $0x3800  }
0xe9: {  	[sflag:s18] =	ssyncset.done $0x0  }
0xea: {  	[sflag:s18] =	ssyncadd.s32 $0xFFFFC800  }
0xeb: {  	[spmem:s2] =	stream.indirect.scatter.add.f32 [tilespmem:s15], [sflag:$0x4], $0x80, s30, s12, $0xb8;
	[tilespmem:$0x1FC00] =	vst v63  }
0xec: {  	_ =	swait.ge [sflag:s10], $0x3800  }
0xed: {  	[sflag:s10] =	ssyncset.done $0x0  }
0xee: {  	[sflag:s10] =	ssyncadd.s32 $0xFFFFC800  }
0xef: {  	[tilespmem:s15], [sflag:$0x3] =	stream.indirect.gather [hbm4b:s4+s12], $0x80, s31, s12, $0xb8;
	[tilespmem:$0x1FC00] =	vst v63  }
0xf0: {  	_ =	swait.ge [sflag:s16], $0x3800  }
0xf1: {  	[sflag:s16] =	ssyncset.done $0x0  }
0xf2: {  	[sflag:s16] =	ssyncadd.s32 $0xFFFFC800  }
0xf3: {  	[spmem:s2] =	stream.indirect.scatter.add.f32 [tilespmem:s13], [sflag:$0x4], $0x80, s1, s12, $0xb8;
	[tilespmem:$0x1FC00] =	vst v63  }
0xf4: {  	_ =	swait.ge [sflag:s10], $0x3800  }
0xf5: {  	[sflag:s10] =	ssyncset.done $0x0  }
0xf6: {  	[sflag:s10] =	ssyncadd.s32 $0xFFFFC800  }
0xf7: {  	_ =	swait.ge [sflag:s17], $0x3800  }
0xf8: {  	[sflag:s17] =	ssyncset.done $0x0  }
0xf9: {  	[sflag:s17] =	ssyncadd.s32 $0xFFFFC800  }
0xfa: {  	[spmem:s2] =	stream.indirect.scatter.add.f32 [tilespmem:s14], [sflag:$0x4], $0x80, s0, s12, $0xb8;
	[tilespmem:$0x1FC00] =	vst v63  }
0xfb: {  	_ =	swait.ge [sflag:s10], $0x3800  }
0xfc: {  	[sflag:s10] =	ssyncset.done $0x0  }
0xfd: {  	[sflag:s10] =	ssyncadd.s32 $0xFFFFC800  }
0xfe: {  	_ =	swait.ge [sflag:s18], $0x3800  }
0xff: {  	[sflag:s18] =	ssyncset.done $0x0  }
0x100: {  	[sflag:s18] =	ssyncadd.s32 $0xFFFFC800  }
0x101: {  	[spmem:s2] =	stream.indirect.scatter.add.f32 [tilespmem:s15], [sflag:$0x4], $0x80, s5, s12, $0xb8;
	[tilespmem:$0x1FC00] =	vst v63  }
0x102: {  	s6 =	simm.s32 $0x300;
	_ =	swait.ge [sflag:s10], $0x3800  }
0x103: {  	s8 =	simm.s32 $0x180;
	s9 =	rddreg [dreg:$0x3];
	[sflag:s10] =	ssyncset.done $0x0  }
.LBB2_2:
0x104: {  	[sflag:s10] =	ssyncadd.s32 $0xFFFFC800;
	s9 =	sadd.s32 s8, s9  }
0x105: {  	[tilespmem:s3], [sflag:$0x4] =	stream.linear.gather [hbm4b:s9+s3], $0xC00, $0x38;
	[tilespmem:$0x1FC00] =	vst v63  }
0x106: {  	_ =	swait.ge [sflag:s10], $0xC00  }
0x107: {  	s9 =	rddreg [dreg:$0x4];
	[sflag:s10] =	ssyncset.done $0x0  }
0x108: {  	[sflag:s10] =	ssyncadd.s32 $0xFFFFF400;
	s9 =	sadd.s32 s8, s9  }
0x109: {  	[tilespmem:s11], [sflag:$0x4] =	stream.linear.gather [hbm4b:s9+s3], $0xC00, $0x38;
	[tilespmem:$0x1FC00] =	vst v63  }
0x10a: {  	_ =	swait.ge [sflag:s10], $0xC00  }
0x10b: {  	[sflag:s10] =	ssyncset.done $0x0  }
0x10c: {  	s7 =	smov.u32 s6;
	[sflag:s10] =	ssyncadd.s32 $0xFFFFF400  }
0x10d: {  	[tilespmem:s13], [sflag:$0x1] =	stream.indirect.gather [hbm4b:s4+s12], $0x80, s3, s12, $0xb8;
	[tilespmem:$0x1FC00] =	vst v63  }
0x10e: {  	s8 =	smov.u32 s7;
	s7 =	rddreg [dreg:$0x5]  }
0x10f: {  	[tilespmem:s14], [sflag:$0x2] =	stream.indirect.gather [hbm4b:s4+s12], $0x80, s7, s12, $0xb8;
	[tilespmem:$0x1FC00] =	vst v63  }
0x110: {  	s9 =	rddreg [dreg:$0x6]  }
0x111: {  	[tilespmem:s15], [sflag:$0x3] =	stream.indirect.gather [hbm4b:s4+s12], $0x80, s9, s12, $0xb8;
	[tilespmem:$0x1FC00] =	vst v63  }
0x112: {  	_ =	swait.ge [sflag:s16], $0x3800  }
0x113: {  	[sflag:s16] =	ssyncset.done $0x0  }
0x114: {  	[sflag:s16] =	ssyncadd.s32 $0xFFFFC800  }
0x115: {  	[spmem:s2] =	stream.indirect.scatter.add.f32 [tilespmem:s13], [sflag:$0x4], $0x80, s11, s12, $0xb8;
	[tilespmem:$0x1FC00] =	vst v63  }
0x116: {  	_ =	swait.ge [sflag:s10], $0x3800  }
0x117: {  	[sflag:s10] =	ssyncset.done $0x0  }
0x118: {  	s9 =	rddreg [dreg:$0x7];
	[sflag:s10] =	ssyncadd.s32 $0xFFFFC800  }
0x119: {  	[tilespmem:s13], [sflag:$0x1] =	stream.indirect.gather [hbm4b:s4+s12], $0x80, s9, s12, $0xb8;
	[tilespmem:$0x1FC00] =	vst v63  }
0x11a: {  	_ =	swait.ge [sflag:s17], $0x3800  }
0x11b: {  	[sflag:s17] =	ssyncset.done $0x0  }
0x11c: {  	s9 =	rddreg [dreg:$0x8];
	[sflag:s17] =	ssyncadd.s32 $0xFFFFC800  }
0x11d: {  	[spmem:s2] =	stream.indirect.scatter.add.f32 [tilespmem:s14], [sflag:$0x4], $0x80, s9, s12, $0xb8;
	[tilespmem:$0x1FC00] =	vst v63  }
0x11e: {  	_ =	swait.ge [sflag:s10], $0x3800  }
0x11f: {  	[sflag:s10] =	ssyncset.done $0x0  }
0x120: {  	s9 =	rddreg [dreg:$0x9];
	[sflag:s10] =	ssyncadd.s32 $0xFFFFC800  }
0x121: {  	[tilespmem:s14], [sflag:$0x2] =	stream.indirect.gather [hbm4b:s4+s12], $0x80, s9, s12, $0xb8;
	[tilespmem:$0x1FC00] =	vst v63  }
0x122: {  	_ =	swait.ge [sflag:s18], $0x3800  }
0x123: {  	[sflag:s18] =	ssyncset.done $0x0  }
0x124: {  	s9 =	rddreg [dreg:$0xa];
	[sflag:s18] =	ssyncadd.s32 $0xFFFFC800  }
0x125: {  	[spmem:s2] =	stream.indirect.scatter.add.f32 [tilespmem:s15], [sflag:$0x4], $0x80, s9, s12, $0xb8;
	[tilespmem:$0x1FC00] =	vst v63  }
0x126: {  	_ =	swait.ge [sflag:s10], $0x3800  }
0x127: {  	[sflag:s10] =	ssyncset.done $0x0  }
0x128: {  	s9 =	rddreg [dreg:$0xb];
	[sflag:s10] =	ssyncadd.s32 $0xFFFFC800  }
0x129: {  	[tilespmem:s15], [sflag:$0x3] =	stream.indirect.gather [hbm4b:s4+s12], $0x80, s9, s12, $0xb8;
	[tilespmem:$0x1FC00] =	vst v63  }
0x12a: {  	_ =	swait.ge [sflag:s16], $0x3800  }
0x12b: {  	[sflag:s16] =	ssyncset.done $0x0  }
0x12c: {  	s9 =	rddreg [dreg:$0xc];
	[sflag:s16] =	ssyncadd.s32 $0xFFFFC800  }
0x12d: {  	[spmem:s2] =	stream.indirect.scatter.add.f32 [tilespmem:s13], [sflag:$0x4], $0x80, s9, s12, $0xb8;
	[tilespmem:$0x1FC00] =	vst v63  }
0x12e: {  	_ =	swait.ge [sflag:s10], $0x3800  }
0x12f: {  	[sflag:s10] =	ssyncset.done $0x0  }
0x130: {  	s9 =	rddreg [dreg:$0xd];
	[sflag:s10] =	ssyncadd.s32 $0xFFFFC800  }
0x131: {  	[tilespmem:s13], [sflag:$0x1] =	stream.indirect.gather [hbm4b:s4+s12], $0x80, s9, s12, $0xb8;
	[tilespmem:$0x1FC00] =	vst v63  }
0x132: {  	_ =	swait.ge [sflag:s17], $0x3800  }
0x133: {  	[sflag:s17] =	ssyncset.done $0x0  }
0x134: {  	s9 =	rddreg [dreg:$0xe];
	[sflag:s17] =	ssyncadd.s32 $0xFFFFC800  }
0x135: {  	[spmem:s2] =	stream.indirect.scatter.add.f32 [tilespmem:s14], [sflag:$0x4], $0x80, s9, s12, $0xb8;
	[tilespmem:$0x1FC00] =	vst v63  }
0x136: {  	_ =	swait.ge [sflag:s10], $0x3800  }
0x137: {  	[sflag:s10] =	ssyncset.done $0x0  }
0x138: {  	s9 =	rddreg [dreg:$0xf];
	[sflag:s10] =	ssyncadd.s32 $0xFFFFC800  }
0x139: {  	[tilespmem:s14], [sflag:$0x2] =	stream.indirect.gather [hbm4b:s4+s12], $0x80, s9, s12, $0xb8;
	[tilespmem:$0x1FC00] =	vst v63  }
0x13a: {  	_ =	swait.ge [sflag:s18], $0x3800  }
0x13b: {  	[sflag:s18] =	ssyncset.done $0x0  }
0x13c: {  	s9 =	rddreg [dreg:$0x10];
	[sflag:s18] =	ssyncadd.s32 $0xFFFFC800  }
0x13d: {  	[spmem:s2] =	stream.indirect.scatter.add.f32 [tilespmem:s15], [sflag:$0x4], $0x80, s9, s12, $0xb8;
	[tilespmem:$0x1FC00] =	vst v63  }
0x13e: {  	_ =	swait.ge [sflag:s10], $0x3800  }
0x13f: {  	[sflag:s10] =	ssyncset.done $0x0  }
0x140: {  	s9 =	rddreg [dreg:$0x11];
	[sflag:s10] =	ssyncadd.s32 $0xFFFFC800  }
0x141: {  	[tilespmem:s15], [sflag:$0x3] =	stream.indirect.gather [hbm4b:s4+s12], $0x80, s9, s12, $0xb8;
	[tilespmem:$0x1FC00] =	vst v63  }
0x142: {  	_ =	swait.ge [sflag:s16], $0x3800  }
0x143: {  	[sflag:s16] =	ssyncset.done $0x0  }
0x144: {  	s9 =	rddreg [dreg:$0x12];
	[sflag:s16] =	ssyncadd.s32 $0xFFFFC800  }
0x145: {  	[spmem:s2] =	stream.indirect.scatter.add.f32 [tilespmem:s13], [sflag:$0x4], $0x80, s9, s12, $0xb8;
	[tilespmem:$0x1FC00] =	vst v63  }
0x146: {  	_ =	swait.ge [sflag:s10], $0x3800  }
0x147: {  	[sflag:s10] =	ssyncset.done $0x0  }
0x148: {  	s9 =	rddreg [dreg:$0x13];
	[sflag:s10] =	ssyncadd.s32 $0xFFFFC800  }
0x149: {  	[tilespmem:s13], [sflag:$0x1] =	stream.indirect.gather [hbm4b:s4+s12], $0x80, s9, s12, $0xb8;
	[tilespmem:$0x1FC00] =	vst v63  }
0x14a: {  	_ =	swait.ge [sflag:s17], $0x3800  }
0x14b: {  	[sflag:s17] =	ssyncset.done $0x0  }
0x14c: {  	s9 =	rddreg [dreg:$0x14];
	[sflag:s17] =	ssyncadd.s32 $0xFFFFC800  }
0x14d: {  	[spmem:s2] =	stream.indirect.scatter.add.f32 [tilespmem:s14], [sflag:$0x4], $0x80, s9, s12, $0xb8;
	[tilespmem:$0x1FC00] =	vst v63  }
0x14e: {  	_ =	swait.ge [sflag:s10], $0x3800  }
0x14f: {  	[sflag:s10] =	ssyncset.done $0x0  }
0x150: {  	s9 =	rddreg [dreg:$0x15];
	[sflag:s10] =	ssyncadd.s32 $0xFFFFC800  }
0x151: {  	[tilespmem:s14], [sflag:$0x2] =	stream.indirect.gather [hbm4b:s4+s12], $0x80, s9, s12, $0xb8;
	[tilespmem:$0x1FC00] =	vst v63  }
0x152: {  	_ =	swait.ge [sflag:s18], $0x3800  }
0x153: {  	[sflag:s18] =	ssyncset.done $0x0  }
0x154: {  	s9 =	rddreg [dreg:$0x16];
	[sflag:s18] =	ssyncadd.s32 $0xFFFFC800  }
0x155: {  	[spmem:s2] =	stream.indirect.scatter.add.f32 [tilespmem:s15], [sflag:$0x4], $0x80, s9, s12, $0xb8;
	[tilespmem:$0x1FC00] =	vst v63  }
0x156: {  	_ =	swait.ge [sflag:s10], $0x3800  }
0x157: {  	[sflag:s10] =	ssyncset.done $0x0  }
0x158: {  	s9 =	rddreg [dreg:$0x17];
	[sflag:s10] =	ssyncadd.s32 $0xFFFFC800  }
0x159: {  	[tilespmem:s15], [sflag:$0x3] =	stream.indirect.gather [hbm4b:s4+s12], $0x80, s9, s12, $0xb8;
	[tilespmem:$0x1FC00] =	vst v63  }
0x15a: {  	_ =	swait.ge [sflag:s16], $0x3800  }
0x15b: {  	[sflag:s16] =	ssyncset.done $0x0  }
0x15c: {  	s9 =	rddreg [dreg:$0x18];
	[sflag:s16] =	ssyncadd.s32 $0xFFFFC800  }
0x15d: {  	[spmem:s2] =	stream.indirect.scatter.add.f32 [tilespmem:s13], [sflag:$0x4], $0x80, s9, s12, $0xb8;
	[tilespmem:$0x1FC00] =	vst v63  }
0x15e: {  	_ =	swait.ge [sflag:s10], $0x3800  }
0x15f: {  	[sflag:s10] =	ssyncset.done $0x0  }
0x160: {  	s9 =	rddreg [dreg:$0x19];
	[sflag:s10] =	ssyncadd.s32 $0xFFFFC800  }
0x161: {  	[tilespmem:s13], [sflag:$0x1] =	stream.indirect.gather [hbm4b:s4+s12], $0x80, s9, s12, $0xb8;
	[tilespmem:$0x1FC00] =	vst v63  }
0x162: {  	_ =	swait.ge [sflag:s17], $0x3800  }
0x163: {  	[sflag:s17] =	ssyncset.done $0x0  }
0x164: {  	s9 =	rddreg [dreg:$0x1a];
	[sflag:s17] =	ssyncadd.s32 $0xFFFFC800  }
0x165: {  	[spmem:s2] =	stream.indirect.scatter.add.f32 [tilespmem:s14], [sflag:$0x4], $0x80, s9, s12, $0xb8;
	[tilespmem:$0x1FC00] =	vst v63  }
0x166: {  	_ =	swait.ge [sflag:s10], $0x3800  }
0x167: {  	[sflag:s10] =	ssyncset.done $0x0  }
0x168: {  	s9 =	rddreg [dreg:$0x1b];
	[sflag:s10] =	ssyncadd.s32 $0xFFFFC800  }
0x169: {  	[tilespmem:s14], [sflag:$0x2] =	stream.indirect.gather [hbm4b:s4+s12], $0x80, s9, s12, $0xb8;
	[tilespmem:$0x1FC00] =	vst v63  }
0x16a: {  	_ =	swait.ge [sflag:s18], $0x3800  }
0x16b: {  	[sflag:s18] =	ssyncset.done $0x0  }
0x16c: {  	s9 =	rddreg [dreg:$0x1c];
	[sflag:s18] =	ssyncadd.s32 $0xFFFFC800  }
0x16d: {  	[spmem:s2] =	stream.indirect.scatter.add.f32 [tilespmem:s15], [sflag:$0x4], $0x80, s9, s12, $0xb8;
	[tilespmem:$0x1FC00] =	vst v63  }
0x16e: {  	_ =	swait.ge [sflag:s10], $0x3800  }
0x16f: {  	[sflag:s10] =	ssyncset.done $0x0  }
0x170: {  	s9 =	rddreg [dreg:$0x1d];
	[sflag:s10] =	ssyncadd.s32 $0xFFFFC800  }
0x171: {  	[tilespmem:s15], [sflag:$0x3] =	stream.indirect.gather [hbm4b:s4+s12], $0x80, s9, s12, $0xb8;
	[tilespmem:$0x1FC00] =	vst v63  }
0x172: {  	_ =	swait.ge [sflag:s16], $0x3800  }
0x173: {  	[sflag:s16] =	ssyncset.done $0x0  }
0x174: {  	s9 =	rddreg [dreg:$0x1e];
	[sflag:s16] =	ssyncadd.s32 $0xFFFFC800  }
0x175: {  	[spmem:s2] =	stream.indirect.scatter.add.f32 [tilespmem:s13], [sflag:$0x4], $0x80, s9, s12, $0xb8;
	[tilespmem:$0x1FC00] =	vst v63  }
0x176: {  	_ =	swait.ge [sflag:s10], $0x3800  }
0x177: {  	[sflag:s10] =	ssyncset.done $0x0  }
0x178: {  	s9 =	rddreg [dreg:$0x1f];
	[sflag:s10] =	ssyncadd.s32 $0xFFFFC800  }
0x179: {  	[tilespmem:s13], [sflag:$0x1] =	stream.indirect.gather [hbm4b:s4+s12], $0x80, s9, s12, $0xb8;
	[tilespmem:$0x1FC00] =	vst v63  }
0x17a: {  	_ =	swait.ge [sflag:s17], $0x3800  }
0x17b: {  	s9 =	sld [smem:$0x7F8]  }
0x17c: {  	[sflag:s17] =	ssyncset.done $0x0  }
0x17d: {  	[sflag:s17] =	ssyncadd.s32 $0xFFFFC800  }
0x17e: {  	[spmem:s2] =	stream.indirect.scatter.add.f32 [tilespmem:s14], [sflag:$0x4], $0x80, s9, s12, $0xb8;
	[tilespmem:$0x1FC00] =	vst v63  }
0x17f: {  	_ =	swait.ge [sflag:s10], $0x3800  }
0x180: {  	s9 =	sld [smem:$0x7F9]  }
0x181: {  	[sflag:s10] =	ssyncset.done $0x0  }
0x182: {  	[sflag:s10] =	ssyncadd.s32 $0xFFFFC800  }
0x183: {  	[tilespmem:s14], [sflag:$0x2] =	stream.indirect.gather [hbm4b:s4+s12], $0x80, s9, s12, $0xb8;
	[tilespmem:$0x1FC00] =	vst v63  }
0x184: {  	_ =	swait.ge [sflag:s18], $0x3800  }
0x185: {  	s9 =	sld [smem:$0x7FA]  }
0x186: {  	[sflag:s18] =	ssyncset.done $0x0  }
0x187: {  	[sflag:s18] =	ssyncadd.s32 $0xFFFFC800  }
0x188: {  	[spmem:s2] =	stream.indirect.scatter.add.f32 [tilespmem:s15], [sflag:$0x4], $0x80, s9, s12, $0xb8;
	[tilespmem:$0x1FC00] =	vst v63  }
0x189: {  	_ =	swait.ge [sflag:s10], $0x3800  }
0x18a: {  	s9 =	sld [smem:$0x7FB]  }
0x18b: {  	[sflag:s10] =	ssyncset.done $0x0  }
0x18c: {  	[sflag:s10] =	ssyncadd.s32 $0xFFFFC800  }
0x18d: {  	[tilespmem:s15], [sflag:$0x3] =	stream.indirect.gather [hbm4b:s4+s12], $0x80, s9, s12, $0xb8;
	[tilespmem:$0x1FC00] =	vst v63  }
0x18e: {  	_ =	swait.ge [sflag:s16], $0x3800  }
0x18f: {  	[sflag:s16] =	ssyncset.done $0x0  }
0x190: {  	[sflag:s16] =	ssyncadd.s32 $0xFFFFC800  }
0x191: {  	[spmem:s2] =	stream.indirect.scatter.add.f32 [tilespmem:s13], [sflag:$0x4], $0x80, s19, s12, $0xb8;
	[tilespmem:$0x1FC00] =	vst v63  }
0x192: {  	_ =	swait.ge [sflag:s10], $0x3800  }
0x193: {  	[sflag:s10] =	ssyncset.done $0x0  }
0x194: {  	[sflag:s10] =	ssyncadd.s32 $0xFFFFC800  }
0x195: {  	[tilespmem:s13], [sflag:$0x1] =	stream.indirect.gather [hbm4b:s4+s12], $0x80, s20, s12, $0xb8;
	[tilespmem:$0x1FC00] =	vst v63  }
0x196: {  	_ =	swait.ge [sflag:s17], $0x3800  }
0x197: {  	[sflag:s17] =	ssyncset.done $0x0  }
0x198: {  	[sflag:s17] =	ssyncadd.s32 $0xFFFFC800  }
0x199: {  	[spmem:s2] =	stream.indirect.scatter.add.f32 [tilespmem:s14], [sflag:$0x4], $0x80, s21, s12, $0xb8;
	[tilespmem:$0x1FC00] =	vst v63  }
0x19a: {  	_ =	swait.ge [sflag:s10], $0x3800  }
0x19b: {  	[sflag:s10] =	ssyncset.done $0x0  }
0x19c: {  	[sflag:s10] =	ssyncadd.s32 $0xFFFFC800  }
0x19d: {  	[tilespmem:s14], [sflag:$0x2] =	stream.indirect.gather [hbm4b:s4+s12], $0x80, s22, s12, $0xb8;
	[tilespmem:$0x1FC00] =	vst v63  }
0x19e: {  	_ =	swait.ge [sflag:s18], $0x3800  }
0x19f: {  	[sflag:s18] =	ssyncset.done $0x0  }
0x1a0: {  	[sflag:s18] =	ssyncadd.s32 $0xFFFFC800  }
0x1a1: {  	[spmem:s2] =	stream.indirect.scatter.add.f32 [tilespmem:s15], [sflag:$0x4], $0x80, s23, s12, $0xb8;
	[tilespmem:$0x1FC00] =	vst v63  }
0x1a2: {  	_ =	swait.ge [sflag:s10], $0x3800  }
0x1a3: {  	[sflag:s10] =	ssyncset.done $0x0  }
0x1a4: {  	[sflag:s10] =	ssyncadd.s32 $0xFFFFC800  }
0x1a5: {  	[tilespmem:s15], [sflag:$0x3] =	stream.indirect.gather [hbm4b:s4+s12], $0x80, s24, s12, $0xb8;
	[tilespmem:$0x1FC00] =	vst v63  }
0x1a6: {  	_ =	swait.ge [sflag:s16], $0x3800  }
0x1a7: {  	[sflag:s16] =	ssyncset.done $0x0  }
0x1a8: {  	[sflag:s16] =	ssyncadd.s32 $0xFFFFC800  }
0x1a9: {  	[spmem:s2] =	stream.indirect.scatter.add.f32 [tilespmem:s13], [sflag:$0x4], $0x80, s25, s12, $0xb8;
	[tilespmem:$0x1FC00] =	vst v63  }
0x1aa: {  	_ =	swait.ge [sflag:s10], $0x3800  }
0x1ab: {  	[sflag:s10] =	ssyncset.done $0x0  }
0x1ac: {  	[sflag:s10] =	ssyncadd.s32 $0xFFFFC800  }
0x1ad: {  	[tilespmem:s13], [sflag:$0x1] =	stream.indirect.gather [hbm4b:s4+s12], $0x80, s26, s12, $0xb8;
	[tilespmem:$0x1FC00] =	vst v63  }
0x1ae: {  	_ =	swait.ge [sflag:s17], $0x3800  }
0x1af: {  	[sflag:s17] =	ssyncset.done $0x0  }
0x1b0: {  	[sflag:s17] =	ssyncadd.s32 $0xFFFFC800  }
0x1b1: {  	[spmem:s2] =	stream.indirect.scatter.add.f32 [tilespmem:s14], [sflag:$0x4], $0x80, s28, s12, $0xb8;
	[tilespmem:$0x1FC00] =	vst v63  }
0x1b2: {  	_ =	swait.ge [sflag:s10], $0x3800  }
0x1b3: {  	[sflag:s10] =	ssyncset.done $0x0  }
0x1b4: {  	[sflag:s10] =	ssyncadd.s32 $0xFFFFC800  }
0x1b5: {  	[tilespmem:s14], [sflag:$0x2] =	stream.indirect.gather [hbm4b:s4+s12], $0x80, s29, s12, $0xb8;
	[tilespmem:$0x1FC00] =	vst v63  }
0x1b6: {  	_ =	swait.ge [sflag:s18], $0x3800  }
0x1b7: {  	[sflag:s18] =	ssyncset.done $0x0  }
0x1b8: {  	[sflag:s18] =	ssyncadd.s32 $0xFFFFC800  }
0x1b9: {  	[spmem:s2] =	stream.indirect.scatter.add.f32 [tilespmem:s15], [sflag:$0x4], $0x80, s30, s12, $0xb8;
	[tilespmem:$0x1FC00] =	vst v63  }
0x1ba: {  	_ =	swait.ge [sflag:s10], $0x3800  }
0x1bb: {  	[sflag:s10] =	ssyncset.done $0x0  }
0x1bc: {  	[sflag:s10] =	ssyncadd.s32 $0xFFFFC800  }
0x1bd: {  	[tilespmem:s15], [sflag:$0x3] =	stream.indirect.gather [hbm4b:s4+s12], $0x80, s31, s12, $0xb8;
	[tilespmem:$0x1FC00] =	vst v63  }
0x1be: {  	_ =	swait.ge [sflag:s16], $0x3800  }
0x1bf: {  	[sflag:s16] =	ssyncset.done $0x0  }
0x1c0: {  	[sflag:s16] =	ssyncadd.s32 $0xFFFFC800  }
0x1c1: {  	[spmem:s2] =	stream.indirect.scatter.add.f32 [tilespmem:s13], [sflag:$0x4], $0x80, s1, s12, $0xb8;
	[tilespmem:$0x1FC00] =	vst v63  }
0x1c2: {  	_ =	swait.ge [sflag:s10], $0x3800  }
0x1c3: {  	[sflag:s10] =	ssyncset.done $0x0  }
0x1c4: {  	[sflag:s10] =	ssyncadd.s32 $0xFFFFC800  }
0x1c5: {  	_ =	swait.ge [sflag:s17], $0x3800  }
0x1c6: {  	[sflag:s17] =	ssyncset.done $0x0  }
0x1c7: {  	[sflag:s17] =	ssyncadd.s32 $0xFFFFC800  }
0x1c8: {  	[spmem:s2] =	stream.indirect.scatter.add.f32 [tilespmem:s14], [sflag:$0x4], $0x80, s0, s12, $0xb8;
	[tilespmem:$0x1FC00] =	vst v63  }
0x1c9: {  	_ =	swait.ge [sflag:s10], $0x3800  }
0x1ca: {  	[sflag:s10] =	ssyncset.done $0x0  }
0x1cb: {  	[sflag:s10] =	ssyncadd.s32 $0xFFFFC800  }
0x1cc: {  	p0 =	sne.s32 s6, $0x480;
	_ =	swait.ge [sflag:s18], $0x3800  }
.Ltmp0:
0x1cd: {  	[sflag:s18] =	ssyncset.done $0x0;
	(pc) =	sbr.rel @p0 .LBB2_2-.Ltmp0, $4  }
0x1ce: {  	[sflag:s18] =	ssyncadd.s32 $0xFFFFC800  }
0x1cf: {  	[spmem:s2] =	stream.indirect.scatter.add.f32 [tilespmem:s15], [sflag:$0x4], $0x80, s5, s12, $0xb8;
	[tilespmem:$0x1FC00] =	vst v63  }
0x1d0: {  	_ =	swait.ge [sflag:s10], $0x3800  }
0x1d1: {  	s6 =	sadd.s32 $0x180, s6;
	s9 =	rddreg [dreg:$0x3];
	[sflag:s10] =	ssyncset.done $0x0  }
0x1d2: {  	[sflag:s10] =	ssyncadd.s32 $0xFFFFC800;
	s6 =	sadd.s32 s8, s9  }
0x1d3: {  	[tilespmem:s3], [sflag:$0x4] =	stream.linear.gather [hbm4b:s6+s3], $0xC00, $0x38;
	[tilespmem:$0x1FC00] =	vst v63  }
0x1d4: {  	_ =	swait.ge [sflag:s10], $0xC00  }
0x1d5: {  	s7 =	rddreg [dreg:$0x4];
	[sflag:s10] =	ssyncset.done $0x0  }
0x1d6: {  	[sflag:s10] =	ssyncadd.s32 $0xFFFFF400;
	s6 =	sadd.s32 s8, s7  }
0x1d7: {  	[tilespmem:s11], [sflag:$0x4] =	stream.linear.gather [hbm4b:s6+s3], $0xC00, $0x38;
	[tilespmem:$0x1FC00] =	vst v63  }
0x1d8: {  	_ =	swait.ge [sflag:s10], $0xC00  }
0x1d9: {  	[sflag:s10] =	ssyncset.done $0x0  }
0x1da: {  	[sflag:s10] =	ssyncadd.s32 $0xFFFFF400  }
0x1db: {  	[tilespmem:s13], [sflag:$0x1] =	stream.indirect.gather [hbm4b:s4+s12], $0x80, s3, s12, $0xb8;
	[tilespmem:$0x1FC00] =	vst v63  }
0x1dc: {  	s9 =	rddreg [dreg:$0x5]  }
0x1dd: {  	[tilespmem:s14], [sflag:$0x2] =	stream.indirect.gather [hbm4b:s4+s12], $0x80, s9, s12, $0xb8;
	[tilespmem:$0x1FC00] =	vst v63  }
0x1de: {  	s7 =	rddreg [dreg:$0x6]  }
0x1df: {  	[tilespmem:s15], [sflag:$0x3] =	stream.indirect.gather [hbm4b:s4+s12], $0x80, s7, s12, $0xb8;
	[tilespmem:$0x1FC00] =	vst v63  }
0x1e0: {  	_ =	swait.ge [sflag:s16], $0x3800  }
0x1e1: {  	[sflag:s16] =	ssyncset.done $0x0  }
0x1e2: {  	[sflag:s16] =	ssyncadd.s32 $0xFFFFC800  }
0x1e3: {  	[spmem:s2] =	stream.indirect.scatter.add.f32 [tilespmem:s13], [sflag:$0x4], $0x80, s11, s12, $0xb8;
	[tilespmem:$0x1FC00] =	vst v63  }
0x1e4: {  	_ =	swait.ge [sflag:s10], $0x3800  }
0x1e5: {  	[sflag:s10] =	ssyncset.done $0x0  }
0x1e6: {  	s7 =	rddreg [dreg:$0x7];
	[sflag:s10] =	ssyncadd.s32 $0xFFFFC800  }
0x1e7: {  	[tilespmem:s13], [sflag:$0x1] =	stream.indirect.gather [hbm4b:s4+s12], $0x80, s7, s12, $0xb8;
	[tilespmem:$0x1FC00] =	vst v63  }
0x1e8: {  	_ =	swait.ge [sflag:s17], $0x3800  }
0x1e9: {  	[sflag:s17] =	ssyncset.done $0x0  }
0x1ea: {  	s8 =	rddreg [dreg:$0x8];
	[sflag:s17] =	ssyncadd.s32 $0xFFFFC800  }
0x1eb: {  	[spmem:s2] =	stream.indirect.scatter.add.f32 [tilespmem:s14], [sflag:$0x4], $0x80, s8, s12, $0xb8;
	[tilespmem:$0x1FC00] =	vst v63  }
0x1ec: {  	_ =	swait.ge [sflag:s10], $0x3800  }
0x1ed: {  	[sflag:s10] =	ssyncset.done $0x0  }
0x1ee: {  	s9 =	rddreg [dreg:$0x9];
	[sflag:s10] =	ssyncadd.s32 $0xFFFFC800  }
0x1ef: {  	[tilespmem:s14], [sflag:$0x2] =	stream.indirect.gather [hbm4b:s4+s12], $0x80, s9, s12, $0xb8;
	[tilespmem:$0x1FC00] =	vst v63  }
0x1f0: {  	_ =	swait.ge [sflag:s18], $0x3800  }
0x1f1: {  	[sflag:s18] =	ssyncset.done $0x0  }
0x1f2: {  	s7 =	rddreg [dreg:$0xa];
	[sflag:s18] =	ssyncadd.s32 $0xFFFFC800  }
0x1f3: {  	[spmem:s2] =	stream.indirect.scatter.add.f32 [tilespmem:s15], [sflag:$0x4], $0x80, s7, s12, $0xb8;
	[tilespmem:$0x1FC00] =	vst v63  }
0x1f4: {  	_ =	swait.ge [sflag:s10], $0x3800  }
0x1f5: {  	[sflag:s10] =	ssyncset.done $0x0  }
0x1f6: {  	s8 =	rddreg [dreg:$0xb];
	[sflag:s10] =	ssyncadd.s32 $0xFFFFC800  }
0x1f7: {  	[tilespmem:s15], [sflag:$0x3] =	stream.indirect.gather [hbm4b:s4+s12], $0x80, s8, s12, $0xb8;
	[tilespmem:$0x1FC00] =	vst v63  }
0x1f8: {  	_ =	swait.ge [sflag:s16], $0x3800  }
0x1f9: {  	[sflag:s16] =	ssyncset.done $0x0  }
0x1fa: {  	s9 =	rddreg [dreg:$0xc];
	[sflag:s16] =	ssyncadd.s32 $0xFFFFC800  }
0x1fb: {  	[spmem:s2] =	stream.indirect.scatter.add.f32 [tilespmem:s13], [sflag:$0x4], $0x80, s9, s12, $0xb8;
	[tilespmem:$0x1FC00] =	vst v63  }
0x1fc: {  	_ =	swait.ge [sflag:s10], $0x3800  }
0x1fd: {  	[sflag:s10] =	ssyncset.done $0x0  }
0x1fe: {  	s7 =	rddreg [dreg:$0xd];
	[sflag:s10] =	ssyncadd.s32 $0xFFFFC800  }
0x1ff: {  	[tilespmem:s13], [sflag:$0x1] =	stream.indirect.gather [hbm4b:s4+s12], $0x80, s7, s12, $0xb8;
	[tilespmem:$0x1FC00] =	vst v63  }
0x200: {  	_ =	swait.ge [sflag:s17], $0x3800  }
0x201: {  	[sflag:s17] =	ssyncset.done $0x0  }
0x202: {  	s8 =	rddreg [dreg:$0xe];
	[sflag:s17] =	ssyncadd.s32 $0xFFFFC800  }
0x203: {  	[spmem:s2] =	stream.indirect.scatter.add.f32 [tilespmem:s14], [sflag:$0x4], $0x80, s8, s12, $0xb8;
	[tilespmem:$0x1FC00] =	vst v63  }
0x204: {  	_ =	swait.ge [sflag:s10], $0x3800  }
0x205: {  	[sflag:s10] =	ssyncset.done $0x0  }
0x206: {  	s9 =	rddreg [dreg:$0xf];
	[sflag:s10] =	ssyncadd.s32 $0xFFFFC800  }
0x207: {  	[tilespmem:s14], [sflag:$0x2] =	stream.indirect.gather [hbm4b:s4+s12], $0x80, s9, s12, $0xb8;
	[tilespmem:$0x1FC00] =	vst v63  }
0x208: {  	_ =	swait.ge [sflag:s18], $0x3800  }
0x209: {  	[sflag:s18] =	ssyncset.done $0x0  }
0x20a: {  	s7 =	rddreg [dreg:$0x10];
	[sflag:s18] =	ssyncadd.s32 $0xFFFFC800  }
0x20b: {  	[spmem:s2] =	stream.indirect.scatter.add.f32 [tilespmem:s15], [sflag:$0x4], $0x80, s7, s12, $0xb8;
	[tilespmem:$0x1FC00] =	vst v63  }
0x20c: {  	_ =	swait.ge [sflag:s10], $0x3800  }
0x20d: {  	[sflag:s10] =	ssyncset.done $0x0  }
0x20e: {  	s8 =	rddreg [dreg:$0x11];
	[sflag:s10] =	ssyncadd.s32 $0xFFFFC800  }
0x20f: {  	[tilespmem:s15], [sflag:$0x3] =	stream.indirect.gather [hbm4b:s4+s12], $0x80, s8, s12, $0xb8;
	[tilespmem:$0x1FC00] =	vst v63  }
0x210: {  	_ =	swait.ge [sflag:s16], $0x3800  }
0x211: {  	[sflag:s16] =	ssyncset.done $0x0  }
0x212: {  	s9 =	rddreg [dreg:$0x12];
	[sflag:s16] =	ssyncadd.s32 $0xFFFFC800  }
0x213: {  	[spmem:s2] =	stream.indirect.scatter.add.f32 [tilespmem:s13], [sflag:$0x4], $0x80, s9, s12, $0xb8;
	[tilespmem:$0x1FC00] =	vst v63  }
0x214: {  	_ =	swait.ge [sflag:s10], $0x3800  }
0x215: {  	[sflag:s10] =	ssyncset.done $0x0  }
0x216: {  	s7 =	rddreg [dreg:$0x13];
	[sflag:s10] =	ssyncadd.s32 $0xFFFFC800  }
0x217: {  	[tilespmem:s13], [sflag:$0x1] =	stream.indirect.gather [hbm4b:s4+s12], $0x80, s7, s12, $0xb8;
	[tilespmem:$0x1FC00] =	vst v63  }
0x218: {  	_ =	swait.ge [sflag:s17], $0x3800  }
0x219: {  	[sflag:s17] =	ssyncset.done $0x0  }
0x21a: {  	s8 =	rddreg [dreg:$0x14];
	[sflag:s17] =	ssyncadd.s32 $0xFFFFC800  }
0x21b: {  	[spmem:s2] =	stream.indirect.scatter.add.f32 [tilespmem:s14], [sflag:$0x4], $0x80, s8, s12, $0xb8;
	[tilespmem:$0x1FC00] =	vst v63  }
0x21c: {  	_ =	swait.ge [sflag:s10], $0x3800  }
0x21d: {  	[sflag:s10] =	ssyncset.done $0x0  }
0x21e: {  	s9 =	rddreg [dreg:$0x15];
	[sflag:s10] =	ssyncadd.s32 $0xFFFFC800  }
0x21f: {  	[tilespmem:s14], [sflag:$0x2] =	stream.indirect.gather [hbm4b:s4+s12], $0x80, s9, s12, $0xb8;
	[tilespmem:$0x1FC00] =	vst v63  }
0x220: {  	_ =	swait.ge [sflag:s18], $0x3800  }
0x221: {  	[sflag:s18] =	ssyncset.done $0x0  }
0x222: {  	s7 =	rddreg [dreg:$0x16];
	[sflag:s18] =	ssyncadd.s32 $0xFFFFC800  }
0x223: {  	[spmem:s2] =	stream.indirect.scatter.add.f32 [tilespmem:s15], [sflag:$0x4], $0x80, s7, s12, $0xb8;
	[tilespmem:$0x1FC00] =	vst v63  }
0x224: {  	_ =	swait.ge [sflag:s10], $0x3800  }
0x225: {  	[sflag:s10] =	ssyncset.done $0x0  }
0x226: {  	s8 =	rddreg [dreg:$0x17];
	[sflag:s10] =	ssyncadd.s32 $0xFFFFC800  }
0x227: {  	[tilespmem:s15], [sflag:$0x3] =	stream.indirect.gather [hbm4b:s4+s12], $0x80, s8, s12, $0xb8;
	[tilespmem:$0x1FC00] =	vst v63  }
0x228: {  	_ =	swait.ge [sflag:s16], $0x3800  }
0x229: {  	[sflag:s16] =	ssyncset.done $0x0  }
0x22a: {  	s9 =	rddreg [dreg:$0x18];
	[sflag:s16] =	ssyncadd.s32 $0xFFFFC800  }
0x22b: {  	[spmem:s2] =	stream.indirect.scatter.add.f32 [tilespmem:s13], [sflag:$0x4], $0x80, s9, s12, $0xb8;
	[tilespmem:$0x1FC00] =	vst v63  }
0x22c: {  	_ =	swait.ge [sflag:s10], $0x3800  }
0x22d: {  	[sflag:s10] =	ssyncset.done $0x0  }
0x22e: {  	s7 =	rddreg [dreg:$0x19];
	[sflag:s10] =	ssyncadd.s32 $0xFFFFC800  }
0x22f: {  	[tilespmem:s13], [sflag:$0x1] =	stream.indirect.gather [hbm4b:s4+s12], $0x80, s7, s12, $0xb8;
	[tilespmem:$0x1FC00] =	vst v63  }
0x230: {  	_ =	swait.ge [sflag:s17], $0x3800  }
0x231: {  	[sflag:s17] =	ssyncset.done $0x0  }
0x232: {  	s8 =	rddreg [dreg:$0x1a];
	[sflag:s17] =	ssyncadd.s32 $0xFFFFC800  }
0x233: {  	[spmem:s2] =	stream.indirect.scatter.add.f32 [tilespmem:s14], [sflag:$0x4], $0x80, s8, s12, $0xb8;
	[tilespmem:$0x1FC00] =	vst v63  }
0x234: {  	_ =	swait.ge [sflag:s10], $0x3800  }
0x235: {  	[sflag:s10] =	ssyncset.done $0x0  }
0x236: {  	s9 =	rddreg [dreg:$0x1b];
	[sflag:s10] =	ssyncadd.s32 $0xFFFFC800  }
0x237: {  	[tilespmem:s14], [sflag:$0x2] =	stream.indirect.gather [hbm4b:s4+s12], $0x80, s9, s12, $0xb8;
	[tilespmem:$0x1FC00] =	vst v63  }
0x238: {  	_ =	swait.ge [sflag:s18], $0x3800  }
0x239: {  	[sflag:s18] =	ssyncset.done $0x0  }
0x23a: {  	s7 =	rddreg [dreg:$0x1c];
	[sflag:s18] =	ssyncadd.s32 $0xFFFFC800  }
0x23b: {  	[spmem:s2] =	stream.indirect.scatter.add.f32 [tilespmem:s15], [sflag:$0x4], $0x80, s7, s12, $0xb8;
	[tilespmem:$0x1FC00] =	vst v63  }
0x23c: {  	_ =	swait.ge [sflag:s10], $0x3800  }
0x23d: {  	[sflag:s10] =	ssyncset.done $0x0  }
0x23e: {  	s8 =	rddreg [dreg:$0x1d];
	[sflag:s10] =	ssyncadd.s32 $0xFFFFC800  }
0x23f: {  	[tilespmem:s15], [sflag:$0x3] =	stream.indirect.gather [hbm4b:s4+s12], $0x80, s8, s12, $0xb8;
	[tilespmem:$0x1FC00] =	vst v63  }
0x240: {  	_ =	swait.ge [sflag:s16], $0x3800  }
0x241: {  	[sflag:s16] =	ssyncset.done $0x0  }
0x242: {  	s9 =	rddreg [dreg:$0x1e];
	[sflag:s16] =	ssyncadd.s32 $0xFFFFC800  }
0x243: {  	[spmem:s2] =	stream.indirect.scatter.add.f32 [tilespmem:s13], [sflag:$0x4], $0x80, s9, s12, $0xb8;
	[tilespmem:$0x1FC00] =	vst v63  }
0x244: {  	_ =	swait.ge [sflag:s10], $0x3800  }
0x245: {  	[sflag:s10] =	ssyncset.done $0x0  }
0x246: {  	s7 =	rddreg [dreg:$0x1f];
	[sflag:s10] =	ssyncadd.s32 $0xFFFFC800  }
0x247: {  	[tilespmem:s13], [sflag:$0x1] =	stream.indirect.gather [hbm4b:s4+s12], $0x80, s7, s12, $0xb8;
	[tilespmem:$0x1FC00] =	vst v63  }
0x248: {  	_ =	swait.ge [sflag:s17], $0x3800  }
0x249: {  	s8 =	sld [smem:$0x7F8]  }
0x24a: {  	[sflag:s17] =	ssyncset.done $0x0  }
0x24b: {  	[sflag:s17] =	ssyncadd.s32 $0xFFFFC800  }
0x24c: {  	[spmem:s2] =	stream.indirect.scatter.add.f32 [tilespmem:s14], [sflag:$0x4], $0x80, s8, s12, $0xb8;
	[tilespmem:$0x1FC00] =	vst v63  }
0x24d: {  	_ =	swait.ge [sflag:s10], $0x3800  }
0x24e: {  	s9 =	sld [smem:$0x7F9]  }
0x24f: {  	[sflag:s10] =	ssyncset.done $0x0  }
0x250: {  	[sflag:s10] =	ssyncadd.s32 $0xFFFFC800  }
0x251: {  	[tilespmem:s14], [sflag:$0x2] =	stream.indirect.gather [hbm4b:s4+s12], $0x80, s9, s12, $0xb8;
	[tilespmem:$0x1FC00] =	vst v63  }
0x252: {  	_ =	swait.ge [sflag:s18], $0x3800  }
0x253: {  	s7 =	sld [smem:$0x7FA]  }
0x254: {  	[sflag:s18] =	ssyncset.done $0x0  }
0x255: {  	[sflag:s18] =	ssyncadd.s32 $0xFFFFC800  }
0x256: {  	[spmem:s2] =	stream.indirect.scatter.add.f32 [tilespmem:s15], [sflag:$0x4], $0x80, s7, s12, $0xb8;
	[tilespmem:$0x1FC00] =	vst v63  }
0x257: {  	_ =	swait.ge [sflag:s10], $0x3800  }
0x258: {  	s8 =	sld [smem:$0x7FB]  }
0x259: {  	[sflag:s10] =	ssyncset.done $0x0  }
0x25a: {  	[sflag:s10] =	ssyncadd.s32 $0xFFFFC800  }
0x25b: {  	[tilespmem:s15], [sflag:$0x3] =	stream.indirect.gather [hbm4b:s4+s12], $0x80, s8, s12, $0xb8;
	[tilespmem:$0x1FC00] =	vst v63  }
0x25c: {  	_ =	swait.ge [sflag:s16], $0x3800  }
0x25d: {  	[sflag:s16] =	ssyncset.done $0x0  }
0x25e: {  	[sflag:s16] =	ssyncadd.s32 $0xFFFFC800  }
0x25f: {  	[spmem:s2] =	stream.indirect.scatter.add.f32 [tilespmem:s13], [sflag:$0x4], $0x80, s19, s12, $0xb8;
	[tilespmem:$0x1FC00] =	vst v63  }
0x260: {  	_ =	swait.ge [sflag:s10], $0x3800  }
0x261: {  	[sflag:s10] =	ssyncset.done $0x0  }
0x262: {  	[sflag:s10] =	ssyncadd.s32 $0xFFFFC800  }
0x263: {  	[tilespmem:s13], [sflag:$0x1] =	stream.indirect.gather [hbm4b:s4+s12], $0x80, s20, s12, $0xb8;
	[tilespmem:$0x1FC00] =	vst v63  }
0x264: {  	_ =	swait.ge [sflag:s17], $0x3800  }
0x265: {  	[sflag:s17] =	ssyncset.done $0x0  }
0x266: {  	[sflag:s17] =	ssyncadd.s32 $0xFFFFC800  }
0x267: {  	[spmem:s2] =	stream.indirect.scatter.add.f32 [tilespmem:s14], [sflag:$0x4], $0x80, s21, s12, $0xb8;
	[tilespmem:$0x1FC00] =	vst v63  }
0x268: {  	_ =	swait.ge [sflag:s10], $0x3800  }
0x269: {  	[sflag:s10] =	ssyncset.done $0x0  }
0x26a: {  	[sflag:s10] =	ssyncadd.s32 $0xFFFFC800  }
0x26b: {  	[tilespmem:s14], [sflag:$0x2] =	stream.indirect.gather [hbm4b:s4+s12], $0x80, s22, s12, $0xb8;
	[tilespmem:$0x1FC00] =	vst v63  }
0x26c: {  	_ =	swait.ge [sflag:s18], $0x3800  }
0x26d: {  	[sflag:s18] =	ssyncset.done $0x0  }
0x26e: {  	[sflag:s18] =	ssyncadd.s32 $0xFFFFC800  }
0x26f: {  	[spmem:s2] =	stream.indirect.scatter.add.f32 [tilespmem:s15], [sflag:$0x4], $0x80, s23, s12, $0xb8;
	[tilespmem:$0x1FC00] =	vst v63  }
0x270: {  	_ =	swait.ge [sflag:s10], $0x3800  }
0x271: {  	[sflag:s10] =	ssyncset.done $0x0  }
0x272: {  	[sflag:s10] =	ssyncadd.s32 $0xFFFFC800  }
0x273: {  	[tilespmem:s15], [sflag:$0x3] =	stream.indirect.gather [hbm4b:s4+s12], $0x80, s24, s12, $0xb8;
	[tilespmem:$0x1FC00] =	vst v63  }
0x274: {  	_ =	swait.ge [sflag:s16], $0x3800  }
0x275: {  	[sflag:s16] =	ssyncset.done $0x0  }
0x276: {  	[sflag:s16] =	ssyncadd.s32 $0xFFFFC800  }
0x277: {  	[spmem:s2] =	stream.indirect.scatter.add.f32 [tilespmem:s13], [sflag:$0x4], $0x80, s25, s12, $0xb8;
	[tilespmem:$0x1FC00] =	vst v63  }
0x278: {  	_ =	swait.ge [sflag:s10], $0x3800  }
0x279: {  	[sflag:s10] =	ssyncset.done $0x0  }
0x27a: {  	[sflag:s10] =	ssyncadd.s32 $0xFFFFC800  }
0x27b: {  	[tilespmem:s13], [sflag:$0x1] =	stream.indirect.gather [hbm4b:s4+s12], $0x80, s26, s12, $0xb8;
	[tilespmem:$0x1FC00] =	vst v63  }
0x27c: {  	_ =	swait.ge [sflag:s17], $0x3800  }
0x27d: {  	[sflag:s17] =	ssyncset.done $0x0  }
0x27e: {  	[sflag:s17] =	ssyncadd.s32 $0xFFFFC800  }
0x27f: {  	[spmem:s2] =	stream.indirect.scatter.add.f32 [tilespmem:s14], [sflag:$0x4], $0x80, s28, s12, $0xb8;
	[tilespmem:$0x1FC00] =	vst v63  }
0x280: {  	_ =	swait.ge [sflag:s10], $0x3800  }
0x281: {  	[sflag:s10] =	ssyncset.done $0x0  }
0x282: {  	[sflag:s10] =	ssyncadd.s32 $0xFFFFC800  }
0x283: {  	[tilespmem:s14], [sflag:$0x2] =	stream.indirect.gather [hbm4b:s4+s12], $0x80, s29, s12, $0xb8;
	[tilespmem:$0x1FC00] =	vst v63  }
0x284: {  	_ =	swait.ge [sflag:s18], $0x3800  }
0x285: {  	[sflag:s18] =	ssyncset.done $0x0  }
0x286: {  	[sflag:s18] =	ssyncadd.s32 $0xFFFFC800  }
0x287: {  	[spmem:s2] =	stream.indirect.scatter.add.f32 [tilespmem:s15], [sflag:$0x4], $0x80, s30, s12, $0xb8;
	[tilespmem:$0x1FC00] =	vst v63  }
0x288: {  	_ =	swait.ge [sflag:s10], $0x3800  }
0x289: {  	[sflag:s10] =	ssyncset.done $0x0  }
0x28a: {  	[sflag:s10] =	ssyncadd.s32 $0xFFFFC800  }
0x28b: {  	[tilespmem:s15], [sflag:$0x3] =	stream.indirect.gather [hbm4b:s4+s12], $0x80, s31, s12, $0xb8;
	[tilespmem:$0x1FC00] =	vst v63  }
0x28c: {  	_ =	swait.ge [sflag:s16], $0x3800  }
0x28d: {  	[sflag:s16] =	ssyncset.done $0x0  }
0x28e: {  	[sflag:s16] =	ssyncadd.s32 $0xFFFFC800  }
0x28f: {  	[spmem:s2] =	stream.indirect.scatter.add.f32 [tilespmem:s13], [sflag:$0x4], $0x80, s1, s12, $0xb8;
	[tilespmem:$0x1FC00] =	vst v63  }
0x290: {  	_ =	swait.ge [sflag:s10], $0x3800  }
0x291: {  	[sflag:s10] =	ssyncset.done $0x0  }
0x292: {  	[sflag:s10] =	ssyncadd.s32 $0xFFFFC800  }
0x293: {  	_ =	swait.ge [sflag:s17], $0x3800  }
0x294: {  	[sflag:s17] =	ssyncset.done $0x0  }
0x295: {  	[sflag:s17] =	ssyncadd.s32 $0xFFFFC800  }
0x296: {  	[spmem:s2] =	stream.indirect.scatter.add.f32 [tilespmem:s14], [sflag:$0x4], $0x80, s0, s12, $0xb8;
	[tilespmem:$0x1FC00] =	vst v63  }
0x297: {  	_ =	swait.ge [sflag:s10], $0x3800  }
0x298: {  	[sflag:s10] =	ssyncset.done $0x0  }
0x299: {  	[sflag:s10] =	ssyncadd.s32 $0xFFFFC800  }
0x29a: {  	_ =	swait.ge [sflag:s18], $0x3800  }
0x29b: {  	[sflag:s18] =	ssyncset.done $0x0  }
0x29c: {  	[sflag:s18] =	ssyncadd.s32 $0xFFFFC800  }
0x29d: {  	[spmem:s2] =	stream.indirect.scatter.add.f32 [tilespmem:s15], [sflag:$0x4], $0x80, s5, s12, $0xb8;
	[tilespmem:$0x1FC00] =	vst v63  }
0x29e: {  	_ =	swait.ge [sflag:s10], $0x3800  }
0x29f: {  	[sflag:s10] =	ssyncset.done $0x0  }
0x2a0: {  	[sflag:s10] =	ssyncadd.s32 $0xFFFFC800  }
0x2a1: {  	[bflag:$0x0] =	sbarrier.arrive $0xFFFF  }
0x2a2: {  	s7 =	sld [smem:$0x7FC]  }
0x2a3: {  	s9 =	sld [smem:$0x7F6]  }
0x2a4: {  	s8 =	sld [smem:$0x7FD];
	_ =	sdelay $0x2  }
0x2a5: {  	[hbm:s9], [sflag:s7] =	dma.local [spmem:s8], $0x2780  }
0x2a6: {  	_ =	swait.ge [sflag:s10], $0x2780  }
0x2a7: {  	s6 =	sld [smem:$0x7F4];
	_ =	sdelay $0x2  }
0x2a8: {  	s9 =	sadd.s32 $0x1, s6;
	s6 =	sld [smem:$0x7F7];
	_ =	sdelay $0x2  }
0x2a9: {  	p0 =	sne.s32 s9, s6  }
.Ltmp1:
0x2aa: {  	_ = 	snop;
	(pc) =	sbr.rel @p0 .LBB2_1-.Ltmp1, $3  }
0x2ab: {  	_ =	sdelay $0x1  }
0x2ac: {  	[sflag:s10] =	ssyncset.done $0x0  }
0x2ad: {  	[sflag:s10] =	ssyncadd.s32 $0xFFFFD880  }
0x2ae: {  	_ =	sfence.sel $0x180000  }
0x2af: {  	[bflag:$0x0] =	sbarrier.arrive $0xFFFF  }
0x2b0: {  	_ =	strace $0x9000004A  }
0x2b1: {  	s0 =	stileid.u32;
	[bflag:$0x2] =	sbarrier.arrive $0xFFFF  }
0x2b2: {  	p0 =	sne.s32 s0, $0x0;
	s0 =	rddreg [dreg:$0x2]  }
0x2b3: {  	s0 =	sadd.s32 @!p0 $0x100000, s0  }
0x2b4: {  	[sflag:s0] =	ssyncadd.tile.s32 @!p0 $0x1;
	_ =	shalt  }
.Lfunc_end2:
_tile_overlayer_lowered:
.L_overlay_start_2:
0x2b5: {  	(tag) =	ssettag $0x2  }
0x2b6: {  	s0 =	rddreg [dreg:$0x0];
	s2 =	stileid.u32  }
0x2b7: {  	s1 =	rddreg [dreg:$0x1];
	p0 =	sne.s32 s2, $0x0  }
0x2b8: {  	s3 =	rddreg [dreg:$0x2];
	[bflag:$0x3] =	sbarrier.arrive $0xFFFF;
	s2 =	simm.s32 @!p0 $0x1C04  }
0x2b9: {  	[timem:s3], [sflag:s2] =	dma.local @!p0 [hbm:s0], s1  }
0x2ba: {  	s0 =	simm.s32 @!p0 $0x4  }
0x2bb: {  	_ =	swait.ge @!p0 [sflag:s0], s1  }
0x2bc: {  	s1 =	ssub.s32 @!p0 $0x0, s1;
	[sflag:s0] =	ssyncset.done @!p0 $0x0  }
0x2bd: {  	[sflag:s0] =	ssyncadd.s32 @!p0 s1  }
0x2be: {  	[bflag:$0x3] =	sbarrier.arrive $0xFFFF  }
0x2bf: {  	_ =	shalt  }

// kernel: kernel.8.cloned.1.call-start
scs
__scs_entry_jumppad:
0x0: {  	(pc) =	sbr.rel $0x88, $3  }
0x1: {  	(tag) =	ssettag $0x0;
	lr =	simm.s32 $0x1  }
0x2: {  	[smem:$0x3F97] =	sst lr;
	_ =	strace $0xD0000000  }
0x3: {  	_ = 	snop  }
0x4: {  	_ = 	snop  }
0x5: {  	_ = 	snop  }
0x6: {  	_ = 	snop  }
0x7: {  	_ = 	snop  }
__scs_overlays_trampoline_lowered:
0x8: {  	[smem:$0x3FA6] =	sst s0  }
0x9: {  	[smem:$0x3FA7] =	sst s1  }
0xa: {  	[smem:$0x3FA8] =	sst s2  }
0xb: {  	[smem:$0x3FA9] =	sst s3  }
0xc: {  	[smem:$0x3FAA] =	sst s4  }
0xd: {  	[smem:$0x3FAB] =	sst s5  }
0xe: {  	[smem:$0x3FAC] =	sst s6  }
0xf: {  	[smem:$0x3FAD] =	sst s7  }
0x10: {  	[smem:$0x3FAE] =	sst s8  }
0x11: {  	[smem:$0x3FAF] =	sst s9;
	s0 =	simm.s32 @!p0 $0x0  }
0x12: {  	s1 =	sld [smem:$0x3F95];
	s0 =	simm.s32 @p0 $0x1  }
0x13: {  	[smem:$0x3FB0] =	sst s0;
	s0 =	simm.s32 @!p1 $0x0  }
0x14: {  	s2 =	sld [smem:$0x3F94];
	s0 =	simm.s32 @p1 $0x1  }
0x15: {  	[smem:$0x3FB1] =	sst s0;
	s0 =	simm.s32 @!p2 $0x0  }
0x16: {  	s3 =	sld [smem:$0x3FDB];
	s0 =	simm.s32 @p2 $0x1  }
0x17: {  	s4 =	simm.s32 $0x1BF5;
	[smem:$0x3FB3] =	sst s0  }
0x18: {  	s0 =	sld [smem:$0x3F96];
	_ =	swait.ge [sflag:s4], $0x0  }
0x19: {  	s7 =	sld [smem:$0x3F97]  }
0x1a: {  	s8 =	sadd.s32 $0xFFFFE003, lr  }
0x1b: {  	s9 =	sadd.s32 $0xFFFFFEF7, lr;
	s5 =	simm.s32 $0xFFFFFFFF;
	p2 =	slt.u32 s8, $0xFFFFF086  }
0x1c: {  	p1 =	slt.u32 s9, $0xF7A;
	s5 =	simm.s32 @!p2 $0x0  }
0x1d: {  	s5 =	simm.s32 @p1 $0x1;
	p0 =	seq.s32 s7, s2  }
0x1e: {  	s7 =	smul.u32 @!p0 $0xF7A, s2;
	p2 =	seq.s32 @!p0 s5, $0x0  }
0x1f: {  	s9 =	smul.u32 $0xF7A, s1;
	s8 =	simm.s32 @!p0 $0x1BF5;
	p2 =	por !p2, p0  }
0x20: {  	[sflag:s8] =	ssyncset.s32 @!p0 $0xFFFFF086;
	s6 =	sadd.s32 @!p0 s3, s7;
	s7 =	simm.s32 @!p0 $0x108  }
0x21: {  	s3 =	sadd.s32 s3, s9;
	s6 =	sadd.s32 @!p0 $0x88, s6;
	s7 =	simm.s32 @p2 $0x1082  }
0x22: {  	[simem:s7], [sflag:s8] =	dma.local @!p0 [hbm:s6], $0xF7A  }
0x23: {  	s9 =	sor.u32 $0xD0000000, s2;
	s6 =	simm.s32 $0x108;
	_ =	swait.ge @!p0 [sflag:s8], $0x0  }
0x24: {  	s3 =	sadd.s32 $0x88, s3;
	s6 =	simm.s32 @!p1 $0x1082;
	[sflag:s4] =	ssyncset.s32 $0xFFFFF086  }
0x25: {  	[simem:s6], [sflag:s4] =	dma.local [hbm:s3], $0xF7A  }
0x26: {  	[smem:$0x3F97] =	sst s1;
	(tag) =	ssettag s2;
	_ =	strace s9  }
0x27: {  	s1 =	sld [smem:$0x3FA7]  }
0x28: {  	s2 =	sld [smem:$0x3FA8]  }
0x29: {  	s4 =	sld [smem:$0x3FAA]  }
0x2a: {  	p0 =	seq.s32 s5, $0x0;
	s5 =	sld [smem:$0x3FAB]  }
0x2b: {  	s6 =	sld [smem:$0x3FAC]  }
0x2c: {  	s7 =	sld [smem:$0x3FAD]  }
0x2d: {  	s3 =	simm.s32 $0x108;
	s8 =	sld [smem:$0x3FAE]  }
0x2e: {  	s3 =	simm.s32 @!p0 $0x1082;
	s9 =	sld [smem:$0x3FAF]  }
0x2f: {  	lr =	sadd.s32 s0, s3;
	s0 =	sld [smem:$0x3FA6]  }
0x30: {  	s3 =	sld [smem:$0x3FA9]  }
0x31: {  	[smem:$0x3FB2] =	sst s10  }
0x32: {  	s10 =	sld [smem:$0x3FB0];
	_ =	sdelay $0x3  }
0x33: {  	p0 =	seq.s32 s10, $0x1;
	s10 =	sld [smem:$0x3FB2];
	_ =	sdelay $0x3  }
0x34: {  	[smem:$0x3FB2] =	sst s10  }
0x35: {  	s10 =	sld [smem:$0x3FB1];
	_ =	sdelay $0x3  }
0x36: {  	p1 =	seq.s32 s10, $0x1;
	s10 =	sld [smem:$0x3FB2];
	_ =	sdelay $0x3  }
0x37: {  	[smem:$0x3FB2] =	sst s10  }
0x38: {  	s10 =	sld [smem:$0x3FB3]  }
0x39: {  	_ = 	snop;
	(pc) =	sbr.ind lr, $3  }
0x3a: {  	_ = 	snop  }
0x3b: {  	_ = 	snop  }
0x3c: {  	p2 =	seq.s32 s10, $0x1;
	s10 =	sld [smem:$0x3FB2]  }
0x3d: {  	_ =	shalt  }
0x3e: {  	_ =	shalt  }
0x3f: {  	_ =	shalt  }
0x40: {  	_ =	shalt  }
0x41: {  	_ =	shalt  }
0x42: {  	_ =	shalt  }
0x43: {  	_ =	shalt  }
0x44: {  	_ =	shalt  }
0x45: {  	_ =	shalt  }
0x46: {  	_ =	shalt  }
0x47: {  	_ =	shalt  }
0x48: {  	_ =	shalt  }
0x49: {  	_ =	shalt  }
0x4a: {  	_ =	shalt  }
0x4b: {  	_ =	shalt  }
0x4c: {  	_ =	shalt  }
0x4d: {  	_ =	shalt  }
0x4e: {  	_ =	shalt  }
0x4f: {  	_ =	shalt  }
0x50: {  	_ =	shalt  }
0x51: {  	_ =	shalt  }
0x52: {  	_ =	shalt  }
0x53: {  	_ =	shalt  }
0x54: {  	_ =	shalt  }
0x55: {  	_ =	shalt  }
0x56: {  	_ =	shalt  }
0x57: {  	_ =	shalt  }
0x58: {  	_ =	shalt  }
0x59: {  	_ =	shalt  }
0x5a: {  	_ =	shalt  }
0x5b: {  	_ =	shalt  }
0x5c: {  	_ =	shalt  }
0x5d: {  	_ =	shalt  }
0x5e: {  	_ =	shalt  }
0x5f: {  	_ =	shalt  }
0x60: {  	_ =	shalt  }
0x61: {  	_ =	shalt  }
0x62: {  	_ =	shalt  }
0x63: {  	_ =	shalt  }
0x64: {  	_ =	shalt  }
0x65: {  	_ =	shalt  }
0x66: {  	_ =	shalt  }
0x67: {  	_ =	shalt  }
0x68: {  	_ =	shalt  }
0x69: {  	_ =	shalt  }
0x6a: {  	_ =	shalt  }
0x6b: {  	_ =	shalt  }
0x6c: {  	_ =	shalt  }
0x6d: {  	_ =	shalt  }
0x6e: {  	_ =	shalt  }
0x6f: {  	_ =	shalt  }
0x70: {  	_ =	shalt  }
0x71: {  	_ =	shalt  }
0x72: {  	_ =	shalt  }
0x73: {  	_ =	shalt  }
0x74: {  	_ =	shalt  }
0x75: {  	_ =	shalt  }
0x76: {  	_ =	shalt  }
0x77: {  	_ =	shalt  }
0x78: {  	_ =	shalt  }
0x79: {  	_ =	shalt  }
0x7a: {  	_ =	shalt  }
0x7b: {  	_ =	shalt  }
0x7c: {  	_ =	shalt  }
0x7d: {  	_ =	shalt  }
0x7e: {  	_ =	shalt  }
0x7f: {  	_ =	shalt  }
0x80: {  	_ =	shalt  }
0x81: {  	_ =	shalt  }
0x82: {  	_ =	shalt  }
0x83: {  	_ =	shalt  }
0x84: {  	_ =	shalt  }
0x85: {  	_ =	shalt  }
0x86: {  	_ =	shalt  }
0x87: {  	_ =	shalt  }
.Lfunc_end0:
.L_simem_size_0:
called_computation_lowered:
.L_overlay_start_0:
0x88: {  	s2 =	sld [smem:$0x3FD9]  }
0x89: {  	s3 =	sld [smem:$0x3FFE];
	_ =	sdelay $0x1  }
0x8a: {  	s1 =	srdreg.scid  }
0x8b: {  	s0 =	sand.u32 $0x1, s1  }
0x8c: {  	s14 =	sshll.u32 s0, $0xA;
	s2 =	sadd.s32 s3, s2  }
0x8d: {  	s2 =	sadd.s32 s2, s14  }
0x8e: {  	[smem:$0x3FBE] =	sst s2  }
0x8f: {  	_ = 	snop  }
0x90: {  	s2 =	sld [smem:$0x3FD0];
	_ =	sdelay $0x2  }
0x91: {  	s15 =	simm.s32 $0xA;
	s4 =	simm.s32 $0x10  }
0x92: {  	[smem:s4], [sflag:s15] =	dma.local [hbm:s2], $0x1  }
0x93: {  	_ =	swait.eq [sflag:s15], $0x1  }
0x94: {  	[sflag:s15] =	ssyncset.done $0x0  }
0x95: {  	[sflag:s15] =	ssyncadd.s32 $0xFFFFFFFF  }
0x96: {  	s16 =	sld [smem:$0x10];
	(tm) =	ssettm $0x1  }
0x97: {  	s17 =	sld [smem:$0x3FFB];
	_ =	sdelay $0x3  }
0x98: {  	_ =	strace s17  }
0x99: {  	s3 =	sld [smem:$0x3FFC];
	_ =	sdelay $0x3  }
0x9a: {  	_ =	strace s3  }
0x9b: {  	s3 =	sld [smem:$0x3FFD];
	_ =	sdelay $0x3  }
0x9c: {  	_ =	strace s3  }
0x9d: {  	_ =	strace $0x8FFFFFFF  }
0x9e: {  	s18 =	sld [smem:$0x3FDB];
	_ =	sdelay $0x1  }
0x9f: {  	s19 =	simm.s32 $_scs_section_size  }
0xa0: {  	s5 =	simm.s32 $_size__tile_overlayer_lowered;
	s6 =	simm.s32 $_tile_overlayer_lowered  }
0xa1: {  	s22 =	simm.s32 $0x1BFF;
	s21 =	sshll.u32 s6, $0x1;
	s3 =	sadd.s32 s19, s18  }
0xa2: {  	s7 =	simm.s32 $0x0;
	s20 =	sshll.u32 s5, $0x1;
	s5 =	sadd.s32 s21, s3  }
0xa3: {  	[timem:s7], [sflag:s22] =	dma.local [hbm:s5], s20  }
0xa4: {  	_ =	swait.ge [sflag:s22], s20  }
0xa5: {  	s4 =	ssub.s32 $0x0, s20;
	[sflag:s22] =	ssyncset.done $0x0  }
0xa6: {  	[sflag:s22] =	ssyncadd.s32 s4;
	_ =	sdelay $0x1  }
0xa7: {  	s23 =	simm.s32 $0x1B8B  }
0xa8: {  	_ =	swait.ge [sflag:s23], $0x1  }
0xa9: {  	[sflag:s23] =	ssyncset.done $0x0  }
0xaa: {  	s25 =	simm.s32 $0x1B8E;
	s24 =	sld [smem:$0x3FFE];
	[sflag:s23] =	ssyncadd.s32 $0xFFFFFFFF  }
0xab: {  	s26 =	simm.s32 $execute0_lowered;
	[smem:$0x3FD2] =	sst s25  }
0xac: {  	s5 =	sshll.u32 s26, $0x1;
	_ =	strace $0x80000046;
	[dreg:$0x1] =	wrdreg $0xFFFFFFFF  }
0xad: {  	s28 =	simm.s32 $_size_execute0_lowered;
	s3 =	sadd.s32 s3, s5;
	[dreg:$0x0] =	wrdreg $0x0  }
0xae: {  	s5 =	sshll.u32 s28, $0x1;
	[dreg:$0x2] =	wrdreg s3  }
0xaf: {  	[dreg:$0x3] =	wrdreg s5  }
0xb0: {  	[dreg:$0x4] =	wrdreg $0xC0  }
0xb1: {  	_ =	task [dreg:s7], $0x5FFFF  }
0xb2: {  	[dreg:$0x1] =	wrdreg $0xFFFFFFFF  }
0xb3: {  	[dreg:$0x0] =	wrdreg $0x60  }
0xb4: {  	[dreg:$0x2] =	wrdreg s24  }
0xb5: {  	[dreg:$0x3] =	wrdreg s16  }
0xb6: {  	[dreg:$0x4] =	wrdreg $0x68000  }
0xb7: {  	[dreg:$0x5] =	wrdreg $0x9  }
0xb8: {  	_ =	task.clear_ibuf [dreg:s7], $0x6FFFF;
	_ =	strace $0x90000046  }
0xb9: {  	s29 =	simm.s32 $0x9;
	_ =	strace $0x80000048  }
0xba: {  	_ =	swait.ge [sflag:s29], $0x1  }
0xbb: {  	[sflag:s29] =	ssyncadd.s32 $0xFFFFFFFF  }
0xbc: {  	_ =	strace $0x90000048  }
0xbd: {  	_ =	sfence  }
0xbe: {  	s30 =	sld [smem:$0x0];
	_ =	sdelay $0x2  }
0xbf: {  	s31 =	sshll.u32 s1, $0xD;
	s1 =	sshrl.u32 s1, $0x2  }
0xc0: {  	s3 =	sand.u32 $0x4000, s31;
	s1 =	sadd.s32 s1, s30  }
0xc1: {  	s0 =	sor.u32 s3, s0;
	s1 =	sshll.u32 s1, $0x11  }
0xc2: {  	s0 =	sor.u32 s1, s0  }
0xc3: {  	s0 =	sadd.s32 $0x8F2B, s0  }
0xc4: {  	[sflag:s0] =	ssyncadd.remote.s32 $0x1  }
0xc5: {  	_ =	sfence.sel $0xFFFF  }
0xc6: {  	[dreg:$0x0] =	wrdreg $0xFFFFFFFF;
	(pc) =	sbr.abs _section_cstart, $3  }
0xc7: {  	[dreg:$0x1] =	wrdreg $0xFFFFFFFF  }
0xc8: {  	_ =	task.clear_ibuf [dreg:s7], $0x2FFFF;
	_ =	strace $0x9FFFFFFF  }
0xc9: {  	(tm) =	ssettm $0x7FFFFFFF  }
tec
execute0_lowered:
.L_overlay_start_1:
0x0: {  	(tag) =	ssettag $0x1  }
0x1: {  	s5 =	rddreg [dreg:$0x0]  }
0x2: {  	s1 =	srdreg.scid;
	s2 =	rddreg [dreg:$0x1]  }
0x3: {  	s0 =	stileid.u32;
	s3 =	rddreg [dreg:$0x2]  }
0x4: {  	s4 =	simm.s32 $0x0;
	s13 =	simm.s32 $0x70;
	s14 =	simm.s32 $0x0  }
0x5: {  	s6 =	sand.u32 $0x1, s1;
	s28 =	sshll.u32 s0, $0x1;
	s8 =	smul.u32 $0x13C00, s0  }
0x6: {  	[smem:$0x7FF] =	sst s4;
	s29 =	smul.u32 $0x4F000, s0;
	s31 =	sshll.u32 s0, $0x6  }
0x7: {  	s1 =	sor.u32 s6, s28;
	s9 =	smul.u32 $0x13C000, s6;
	s6 =	ssub.s32 $0x2, s6  }
0x8: {  	s7 =	smul.u32 $0x600, s1;
	s1 =	rddreg [dreg:$0x3];
	_ =	strace $0x80000047  }
0x9: {  	s10 =	sshrl.u32 s8, $0x3;
	s11 =	sshrl.u32 s6, $0x1;
	s30 =	sshrl.u32 s29, $0x2  }
0xa: {  	s8 =	sadd.s32 s8, s9;
	s10 =	sadd.s32 s10, s5;
	s11 =	ssub.s32 s6, s11  }
0xb: {  	s12 =	sadd.s32 s30, s3;
	s6 =	sor.u32 $0x1C01, s31;
	s7 =	sadd.s32 s7, s5  }
0xc: {  	s8 =	sshrl.u32 s8, $0x3;
	s9 =	smax.u32 s11, $0x1;
	s11 =	simm.s32 $0x1  }
0xd: {  	s8 =	sadd.s32 s8, s5;
	s5 =	sadd.s32 $0xDA00, s10;
	s7 =	sadd.s32 $0x1A00, s7  }
0xe: {  	s10 =	sshrl.u32 s12, $0x3;
	s12 =	simm.s32 $0x3000;
	s8 =	sadd.s32 $0x35200, s8  }
.LBB2_1:
0xf: {  	[spmem:s10], [sflag:s6] =	dma.local [hbm:s5], $0x2780  }
0x10: {  	_ =	swait.ge [sflag:s11], $0x2780  }
0x11: {  	[sflag:s11] =	ssyncset.done $0x0  }
0x12: {  	[sflag:s11] =	ssyncadd.s32 $0xFFFFD880  }
0x13: {  	[tilespmem:s4], [sflag:$0x1] =	stream.linear.gather [hbm4b:s7+s4], $0x3000, $0x38;
	[tilespmem:$0x1A400] =	vst v63  }
0x14: {  	_ =	swait.ge [sflag:s11], $0x3000  }
0x15: {  	[sflag:s11] =	ssyncset.done $0x0  }
0x16: {  	[sflag:s11] =	ssyncadd.s32 $0xFFFFD000  }
0x17: {  	[tilespmem:s12], [sflag:$0x1] =	stream.linear.gather [hbm4b:s2+s4], $0x3800, $0x38;
	[tilespmem:$0x1A400] =	vst v63  }
0x18: {  	_ =	swait.ge [sflag:s11], $0x3800  }
0x19: {  	[sflag:s11] =	ssyncset.done $0x0  }
0x1a: {  	[sflag:s11] =	ssyncadd.s32 $0xFFFFC800  }
0x1b: {  	s15 =	simm.s32 $0x0;
	[bflag:$0x0] =	sbarrier.arrive $0xFFFF  }
0x1c: {  	[spmem:s3] =	stream.indirect.scatter.add.f32 [tilespmem:s12], [sflag:$0x1], $0x80, s15, s13, $0xb8;
	[tilespmem:$0x1A400] =	vst v63  }
0x1d: {  	_ =	swait.ge [sflag:s11], $0x3800  }
0x1e: {  	s15 =	simm.s32 $0x200;
	[sflag:s11] =	ssyncset.done $0x0  }
.LBB2_2:
0x1f: {  	s16 =	sshra.s32 s15, $0x2;
	[sflag:s11] =	ssyncadd.s32 $0xFFFFC800;
	p0 =	sne.s32 s15, $0xBE00  }
0x20: {  	[spmem:s3] =	stream.indirect.scatter.add.f32 [tilespmem:s12], [sflag:$0x1], $0x80, s16, s13, $0xb8;
	[tilespmem:$0x1A400] =	vst v63  }
.Ltmp0:
0x21: {  	_ = 	snop;
	(pc) =	sbr.rel @p0 .LBB2_2-.Ltmp0, $4  }
0x22: {  	_ = 	snop  }
0x23: {  	s15 =	sadd.s32 $0x200, s15  }
0x24: {  	_ =	swait.ge [sflag:s11], $0x3800  }
0x25: {  	[sflag:s11] =	ssyncset.done $0x0  }
0x26: {  	s14 =	sadd.s32 $0x1, s14  }
0x27: {  	[sflag:s11] =	ssyncadd.s32 $0xFFFFC800;
	p0 =	sne.s32 s14, s9  }
.Ltmp1:
0x28: {  	[bflag:$0x0] =	sbarrier.arrive $0xFFFF;
	(pc) =	sbr.rel @p0 .LBB2_1-.Ltmp1, $4  }
0x29: {  	[hbm:s8], [sflag:s6] =	dma.local [spmem:s10], $0x2780  }
0x2a: {  	_ =	swait.ge [sflag:s11], $0x2780  }
0x2b: {  	[sflag:s11] =	ssyncset.done $0x0  }
0x2c: {  	[sflag:s11] =	ssyncadd.s32 $0xFFFFD880  }
0x2d: {  	_ =	sfence.sel $0x180000  }
0x2e: {  	[bflag:$0x0] =	sbarrier.arrive $0xFFFF  }
0x2f: {  	p0 =	sne.s32 s0, $0x0;
	_ =	strace $0x90000047  }
0x30: {  	s0 =	sadd.s32 @!p0 $0x100000, s1;
	[bflag:$0x2] =	sbarrier.arrive $0xFFFF  }
0x31: {  	[sflag:s0] =	ssyncadd.tile.s32 @!p0 $0x1;
	_ =	shalt  }
.Lfunc_end2:
_tile_overlayer_lowered:
.L_overlay_start_2:
0x32: {  	(tag) =	ssettag $0x2  }
0x33: {  	s0 =	rddreg [dreg:$0x0];
	s2 =	stileid.u32  }
0x34: {  	s1 =	rddreg [dreg:$0x1];
	p0 =	sne.s32 s2, $0x0  }
0x35: {  	s3 =	rddreg [dreg:$0x2];
	[bflag:$0x3] =	sbarrier.arrive $0xFFFF;
	s2 =	simm.s32 @!p0 $0x1C01  }
0x36: {  	[timem:s3], [sflag:s2] =	dma.local @!p0 [hbm:s0], s1  }
0x37: {  	s0 =	simm.s32 @!p0 $0x1  }
0x38: {  	_ =	swait.ge @!p0 [sflag:s0], s1  }
0x39: {  	s1 =	ssub.s32 @!p0 $0x0, s1;
	[sflag:s0] =	ssyncset.done @!p0 $0x0  }
0x3a: {  	[sflag:s0] =	ssyncadd.s32 @!p0 s1  }
0x3b: {  	[bflag:$0x3] =	sbarrier.arrive $0xFFFF  }
0x3c: {  	_ =	shalt  }

</sc_bundles>
